<compile_context>
chip_gen: v7x
topology: tpu7x:2x2x1
jax: 0.10.2.dev20260603
libtpu: 0.0.44.dev20260713+nightly
codegen_flags: <defaults>
</compile_context>

<pallas_src>
import functools

import jax
import jax.numpy as jnp
from jax import lax
from jax.experimental import pallas as pl
from jax.experimental.pallas import tpu as pltpu
from jax.experimental.pallas import tpu_sc as plsc

NX = 468
NY = 468
NZ = 2
C = 64
B = 2
P = 60000

S_PLANE = NZ * NY * NX
BATCH_STRIDE = C * S_PLANE
OUT_WORDS = B * BATCH_STRIDE

NC, NS, L = 2, 16, 16
FT_COLS = 60160
CH = 3752
CH_LAST = P - 15 * CH
NGRPS = 235
NR = 32
RWORDS = B * S_PLANE
PAIR = 109512
SL_EVEN = 54760
SL_ODD = 54752
ZC1 = 36512
ZC2_EVEN = SL_EVEN - ZC1
ZC2_ODD = SL_ODD - ZC1



def _tr_body(x_ref, o_ref):
    o_ref[...] = jnp.pad(x_ref[...].T,
                         ((0, 0), (0, FT_COLS - P))).reshape(
                             C * FT_COLS // 128, 128)


def _transpose_feat(feat):
    return pl.pallas_call(
        _tr_body,
        out_shape=jax.ShapeDtypeStruct((C * FT_COLS // 128, 128),
                                       jnp.float32),
        compiler_params=pltpu.CompilerParams(
            vmem_limit_bytes=100 * 1024 * 1024),
    )(feat)


_mesh = plsc.VectorSubcoreMesh(core_axis_name="c", subcore_axis_name="s")


@functools.partial(
    pl.kernel,
    out_type=jax.ShapeDtypeStruct((OUT_WORDS,), jnp.float32),
    mesh=_mesh,
    compiler_params=pltpu.CompilerParams(
        needs_layout_passes=False, use_tc_tiling_on_sc=False),
    scratch_types=[
        pltpu.VMEM_SHARED((RWORDS + L,), jnp.float32),
        pltpu.VMEM((CH * 4,), jnp.int32),
        pltpu.VMEM((NGRPS * L,), jnp.int32),
        pltpu.VMEM((NGRPS * L,), jnp.float32),
        pltpu.VMEM((ZC1,), jnp.float32),
        pltpu.SemaphoreType.DMA,
        pltpu.SemaphoreType.DMA,
        pltpu.SemaphoreType.DMA,
    ],
)
def _sc_scatter(featT, coords, out_ref, smem, cbuf, sbase, val, zbuf,
                vsem, zsem, rsem):
    half = lax.axis_index("c")
    t = lax.axis_index("s")
    last = t == NS - 1
    cstart = pl.multiple_of(t * CH, 8)
    clen = jnp.where(last, CH_LAST, CH)
    toff = pl.multiple_of((t // 2) * PAIR + (t % 2) * SL_EVEN, 8)
    tlen = jnp.where(t % 2 == 0, SL_EVEN, SL_ODD)
    iota = lax.iota(jnp.int32, L)

    def zinit(i, _):
        zbuf[pl.ds(i * L, L)] = jnp.zeros((L,), jnp.float32)
        return 0

    lax.fori_loop(0, ZC1 // L, zinit, 0)

    @pl.when(jnp.logical_not(last))
    def _():
        pltpu.sync_copy(coords.at[pl.ds(cstart * 4, CH * 4)], cbuf)

    @pl.when(last)
    def _():
        pltpu.sync_copy(coords.at[pl.ds(cstart * 4, CH_LAST * 4)],
                        cbuf.at[pl.ds(0, CH_LAST * 4)])

    def grp(g, _):
        j4 = jnp.minimum(g * L + iota, clen - 1) * 4
        bcol = plsc.load_gather(cbuf, [j4])
        zcol = plsc.load_gather(cbuf, [j4 + 1])
        ycol = plsc.load_gather(cbuf, [j4 + 2])
        xcol = plsc.load_gather(cbuf, [j4 + 3])
        sbase[pl.ds(g * L, L)] = (bcol * S_PLANE + zcol * (NY * NX)
                                  + ycol * NX + xcol)
        return 0

    lax.fori_loop(0, NGRPS, grp, 0)

    for g in range(NGRPS - 3, NGRPS):
        j = g * L + iota
        cur = sbase[pl.ds(g * L, L)]
        sbase[pl.ds(g * L, L)] = jnp.where(j < clen, cur, RWORDS + iota)

    pltpu.async_copy(zbuf, smem.at[pl.ds(toff, ZC1)], zsem)

    @pl.when(t % 2 == 0)
    def _():
        pltpu.async_copy(zbuf.at[pl.ds(0, ZC2_EVEN)],
                         smem.at[pl.ds(toff + ZC1, ZC2_EVEN)], zsem)
        pltpu.make_async_copy(zbuf.at[pl.ds(0, ZC2_EVEN)],
                              smem.at[pl.ds(toff + ZC1, ZC2_EVEN)],
                              zsem).wait()

    @pl.when(t % 2 != 0)
    def _():
        pltpu.async_copy(zbuf.at[pl.ds(0, ZC2_ODD)],
                         smem.at[pl.ds(toff + ZC1, ZC2_ODD)], zsem)
        pltpu.make_async_copy(zbuf.at[pl.ds(0, ZC2_ODD)],
                              smem.at[pl.ds(toff + ZC1, ZC2_ODD)],
                              zsem).wait()

    pltpu.make_async_copy(zbuf, smem.at[pl.ds(toff, ZC1)], zsem).wait()

    def rnd(r, _):
        c = half * NR + r

        @pl.when(jnp.logical_not(last))
        def _():
            pltpu.async_copy(
                featT.at[pl.ds(c * FT_COLS + cstart, CH)],
                val.at[pl.ds(0, CH)], vsem)

        @pl.when(last)
        def _():
            pltpu.async_copy(
                featT.at[pl.ds(c * FT_COLS + cstart, CH_LAST)],
                val.at[pl.ds(0, CH_LAST)], vsem)

        @pl.when(jnp.logical_not(last))
        def _():
            pltpu.make_async_copy(
                featT.at[pl.ds(c * FT_COLS + cstart, CH)],
                val.at[pl.ds(0, CH)], vsem).wait()

        @pl.when(last)
        def _():
            pltpu.make_async_copy(
                featT.at[pl.ds(c * FT_COLS + cstart, CH_LAST)],
                val.at[pl.ds(0, CH_LAST)], vsem).wait()

        plsc.subcore_barrier()

        pltpu.sync_copy(val, smem.at[sbase])

        plsc.subcore_barrier()

        b = t // 8
        wbase = pl.multiple_of(
            b * BATCH_STRIDE + c * S_PLANE + (toff - b * S_PLANE), 8)

        @pl.when(t % 2 == 0)
        def _():
            pltpu.async_copy(smem.at[pl.ds(toff, SL_EVEN)],
                             out_ref.at[pl.ds(wbase, SL_EVEN)], rsem).wait()

        @pl.when(t % 2 != 0)
        def _():
            pltpu.async_copy(smem.at[pl.ds(toff, SL_ODD)],
                             out_ref.at[pl.ds(wbase, SL_ODD)], rsem).wait()

        return 0

    lax.fori_loop(0, NR, rnd, 0)


def kernel(batch_size, pillar_features, coords):
    del batch_size
    featT = _transpose_feat(pillar_features)
    out = _sc_scatter(featT.reshape(C * FT_COLS), coords.reshape(P * 4))
    return out.reshape(B, C * NZ, NY, NX)

# --- scband reference (transcript-rebuilt; emitter-appended) ---
"""Pipeline reference for scband-point-pillar-scatter3d-57724360458630 (READ-ONLY COPY).

The authoritative reference and input builder live on the scoring server;
editing this copy changes nothing except your own understanding.
"""

import jax, jax.numpy as jnp
import numpy as np

NX, NY, NZ = 468, 468, 2
NUM_BEV = 128
C = NUM_BEV // NZ  # 64 features before compression
P = 60000
B = 2


def setup_inputs(seed: int = 0) -> dict:
    key = jax.random.key(seed)
    pillar_features = jax.random.normal(key, (P, C), dtype=jnp.float32)
    # Build coords [P, 4] = (batch_idx, z, y, x). Use unique linear cells per batch
    # so the scatter-overwrite is well-defined (matches torch semantics when
    # indices are collision-free, which is the real-world case for voxelized pillars).
    rng = np.random.default_rng(0)
    per = P // B
    total = NZ * NY * NX
    coords_list = []
    for b in range(B):
        lin = rng.choice(total, size=per, replace=False)
        z = lin // (NY * NX)
        rem = lin % (NY * NX)
        y = rem // NX
        x = rem % NX
        cb = np.stack([np.full(per, b, dtype=np.int64), z, y, x], axis=1)
        coords_list.append(cb)
    coords = jnp.asarray(np.concatenate(coords_list, axis=0), dtype=jnp.int32)
    return {"batch_size": B, "pillar_features": pillar_features, "coords": coords}


def reference(batch_size, pillar_features, coords):
    # indices into flattened (z, y, x) grid, matching torch:
    # idx = z * ny * nx + y * nx + x
    indices = coords[:, 1] * (NY * NX) + coords[:, 2] * NX + coords[:, 3]
    indices = indices + (jnp.asarray(batch_size) * 0).astype(indices.dtype)
    out = jnp.zeros((B, C, NZ * NY * NX), dtype=pillar_features.dtype)
    # scatter-overwrite: out[b, :, cell] = pillar_features[p, :]
    out = out.at[coords[:, 0], :, indices].set(pillar_features)
    out = out.reshape(B, C * NZ, NY, NX)
    return out

if __name__ == "__main__":
    import jax
    _d = setup_inputs()
    print(jax.jit(kernel)(*tuple(_d.values())))

</pallas_src>

<mosaic_0001>
#map = affine_map<(d0, d1) -> (0)>
module attributes {stable_mosaic.version = 14 : i64} {
  func.func @_sc_scatter(%arg0: i32, %arg1: i32, %arg2: memref<3850240xf32, #tpu.memory_space<hbm>>, %arg3: memref<240000xi32, #tpu.memory_space<hbm>>, %arg4: memref<56070144xf32, #tpu.memory_space<hbm>>, %arg5: memref<876112xf32, #tpu.memory_space<vmem_shared>>, %arg6: memref<15008xi32, #tpu.memory_space<vmem>>, %arg7: memref<3760xi32, #tpu.memory_space<vmem>>, %arg8: memref<3760xf32, #tpu.memory_space<vmem>>, %arg9: memref<36512xf32, #tpu.memory_space<vmem>>, %arg10: memref<!tpu.dma_semaphore, #tpu.memory_space<semaphore_mem>>, %arg11: memref<!tpu.dma_semaphore, #tpu.memory_space<semaphore_mem>>, %arg12: memref<!tpu.dma_semaphore, #tpu.memory_space<semaphore_mem>>) attributes {dimension_semantics = [#tpu.dimension_semantics<core_parallel>, #tpu.dimension_semantics<subcore_parallel>], iteration_bounds = array<i64: 2, 16>, scalar_prefetch = 0 : i64, scratch_operands = 8 : i64, tpu.core_type = #tpu.core_type<sc_vector_subcore>, window_params = [{transform_indices = #map}, {transform_indices = #map}, {transform_indices = #map}]} {
    %eq3A = arith.constant 15 : i32
    %eq3A_0 = arith.cmpi eq, %arg1, %eq3A : i32
    %mul3A = arith.constant 3752 : i32
    %mul3A_1 = arith.muli %arg1, %mul3A : i32
    %multiple_of3A = tpu.assume_multiple %mul3A_1, 8 : i32
    %jit3A = arith.constant 3720 : i32
    %jit3A_2 = arith.constant 3752 : i32
    %select_n3A = arith.select %eq3A_0, %jit3A, %jit3A_2 : i32
    %jit3A_3 = arith.constant 2 : i32
    %div3A = arith.divsi %arg1, %jit3A_3 : i32
    %sign3A = arith.constant 0 : i32
    %sign3A_4 = arith.cmpi sgt, %arg1, %sign3A : i32
    %sign3A_5 = arith.extui %sign3A_4 : i1 to i32
    %sign3A_6 = arith.constant 0 : i32
    %sign3A_7 = arith.cmpi slt, %arg1, %sign3A_6 : i32
    %sign3A_8 = arith.extui %sign3A_7 : i1 to i32
    %sign3A_9 = arith.subi %sign3A_5, %sign3A_8 : i32
    %sign3A_10 = arith.constant 0 : i32
    %sign3A_11 = arith.cmpi sgt, %jit3A_3, %sign3A_10 : i32
    %sign3A_12 = arith.extui %sign3A_11 : i1 to i32
    %sign3A_13 = arith.constant 0 : i32
    %sign3A_14 = arith.cmpi slt, %jit3A_3, %sign3A_13 : i32
    %sign3A_15 = arith.extui %sign3A_14 : i1 to i32
    %sign3A_16 = arith.subi %sign3A_12, %sign3A_15 : i32
    %ne3A = arith.cmpi ne, %sign3A_9, %sign3A_16 : i32
    %rem3A = arith.remsi %arg1, %jit3A_3 : i32
    %ne3A_17 = arith.constant 0 : i32
    %ne3A_18 = arith.cmpi ne, %rem3A, %ne3A_17 : i32
    %and3A = arith.andi %ne3A, %ne3A_18 : i1
    %sub3A = arith.constant 1 : i32
    %sub3A_19 = arith.subi %div3A, %sub3A : i32
    %select_n3A_20 = arith.select %and3A, %sub3A_19, %div3A : i32
    %mul3A_21 = arith.constant 109512 : i32
    %mul3A_22 = arith.muli %select_n3A_20, %mul3A_21 : i32
    %jit3A_23 = arith.constant 2 : i32
    %eq3A_24 = arith.constant 0 : i32
    %eq3A_25 = arith.cmpi eq, %jit3A_23, %eq3A_24 : i32
    %jit3A_26 = arith.constant 1 : i32
    %select_n3A_27 = arith.select %eq3A_25, %jit3A_26, %jit3A_23 : i32
    %rem3A_28 = arith.remsi %arg1, %select_n3A_27 : i32
    %ne3A_29 = arith.constant 0 : i32
    %ne3A_30 = arith.cmpi ne, %rem3A_28, %ne3A_29 : i32
    %lt3A = arith.constant 0 : i32
    %lt3A_31 = arith.cmpi slt, %rem3A_28, %lt3A : i32
    %lt3A_32 = arith.constant 0 : i32
    %lt3A_33 = arith.cmpi slt, %select_n3A_27, %lt3A_32 : i32
    %ne3A_34 = arith.xori %lt3A_31, %lt3A_33 : i1
    %and3A_35 = arith.andi %ne3A_34, %ne3A_30 : i1
    %add3A = arith.addi %rem3A_28, %select_n3A_27 : i32
    %select_n3A_36 = arith.select %and3A_35, %add3A, %rem3A_28 : i32
    %mul3A_37 = arith.constant 54760 : i32
    %mul3A_38 = arith.muli %select_n3A_36, %mul3A_37 : i32
    %add3A_39 = arith.addi %mul3A_22, %mul3A_38 : i32
    %multiple_of3A_40 = tpu.assume_multiple %add3A_39, 8 : i32
    %jit3A_41 = arith.constant 2 : i32
    %eq3A_42 = arith.constant 0 : i32
    %eq3A_43 = arith.cmpi eq, %jit3A_41, %eq3A_42 : i32
    %jit3A_44 = arith.constant 1 : i32
    %select_n3A_45 = arith.select %eq3A_43, %jit3A_44, %jit3A_41 : i32
    %rem3A_46 = arith.remsi %arg1, %select_n3A_45 : i32
    %ne3A_47 = arith.constant 0 : i32
    %ne3A_48 = arith.cmpi ne, %rem3A_46, %ne3A_47 : i32
    %lt3A_49 = arith.constant 0 : i32
    %lt3A_50 = arith.cmpi slt, %rem3A_46, %lt3A_49 : i32
    %lt3A_51 = arith.constant 0 : i32
    %lt3A_52 = arith.cmpi slt, %select_n3A_45, %lt3A_51 : i32
    %ne3A_53 = arith.xori %lt3A_50, %lt3A_52 : i1
    %and3A_54 = arith.andi %ne3A_53, %ne3A_48 : i1
    %add3A_55 = arith.addi %rem3A_46, %select_n3A_45 : i32
    %select_n3A_56 = arith.select %and3A_54, %add3A_55, %rem3A_46 : i32
    %eq3A_57 = arith.constant 0 : i32
    %eq3A_58 = arith.cmpi eq, %select_n3A_56, %eq3A_57 : i32
    %jit3A_59 = arith.constant 54760 : i32
    %jit3A_60 = arith.constant 54752 : i32
    %select_n3A_61 = arith.select %eq3A_58, %jit3A_59, %jit3A_60 : i32
    %iota3A = tpu.iota {dimensions = array<i32: 0>} : vector<16xi32>
    %scan3A = arith.constant 0 : i32
    %scan3A_62 = arith.constant 0 : i32
    %scan3A_63 = arith.constant 2282 : i32
    %scan3A_64 = arith.addi %scan3A_62, %scan3A_63 : i32
    %scan3A_65 = arith.constant 1 : i32
    %scan3A_66 = scf.for %scan3A_168 = %scan3A_62 to %scan3A_64 step %scan3A_65 iter_args(%scan3A_169 = %scan3A) -> (i32)  : i32 {
      %broadcast_in_dim3A = arith.constant 0.000000e+00 : f32
      %broadcast_in_dim3A_170 = vector.broadcast %broadcast_in_dim3A : f32 to vector<16xf32>
      %mul3A_171 = arith.constant 16 : i32
      %mul3A_172 = arith.muli %scan3A_168, %mul3A_171 : i32
      %swap3A_173 = arith.index_cast %mul3A_172 : i32 to index
      %swap3A_174 = tpu.vector_load %arg9[%swap3A_173] {strides = array<i32>} : memref<36512xf32, #tpu.memory_space<vmem>>, vector<16xf32>,
      tpu.vector_store %arg9[%swap3A_173], %broadcast_in_dim3A_170 {strides = array<i32>} : memref<36512xf32, #tpu.memory_space<vmem>>, vector<16xf32>,
      %scan3A_175 = arith.constant 0 : i32
      scf.yield %scan3A_175 : i32
    }
    %scan3A_67 = arith.constant 2282 : i32
    %not3A = arith.constant true
    %not3A_68 = arith.xori %eq3A_0, %not3A : i1
    %convert_element_type3A = arith.extui %not3A_68 : i1 to i32
    %cond3A = arith.constant 0 : i32
    %cond3A_69 = arith.cmpi ne, %convert_element_type3A, %cond3A : i32
    scf.if %cond3A_69 {
      %mul3A_168 = arith.constant 4 : i32
      %mul3A_169 = arith.muli %multiple_of3A, %mul3A_168 : i32
      "tpu.region"() ({
        %run_scoped3A = tpu.sem_alloc : memref<!tpu.dma_semaphore, #tpu.memory_space<semaphore_mem>>
        %dma_start3A_170 = tpu.memref_slice %arg3[%mul3A_169] : memref<240000xi32, #tpu.memory_space<hbm>> -> memref<15008xi32, #tpu.memory_space<hbm>>
        %dma_start3A_171 = tpu.memref_slice %arg3[%mul3A_169] : memref<240000xi32, #tpu.memory_space<hbm>> -> memref<15008xi32, #tpu.memory_space<hbm>>
        tpu.enqueue_dma source(%dma_start3A_171 : memref<15008xi32, #tpu.memory_space<hbm>>) target(%arg6 : memref<15008xi32, #tpu.memory_space<vmem>>) target_semaphore(%run_scoped3A : memref<!tpu.dma_semaphore, #tpu.memory_space<semaphore_mem>>)
        %dma_wait3A_172 = tpu.memref_slice %arg3[%mul3A_169] : memref<240000xi32, #tpu.memory_space<hbm>> -> memref<15008xi32, #tpu.memory_space<hbm>>
        %dma_wait3A_173 = tpu.memref_slice %arg3[%mul3A_169] : memref<240000xi32, #tpu.memory_space<hbm>> -> memref<15008xi32, #tpu.memory_space<hbm>>
        tpu.wait_dma2 semaphore(%run_scoped3A : memref<!tpu.dma_semaphore, #tpu.memory_space<semaphore_mem>>) src(%dma_wait3A_173 : memref<15008xi32, #tpu.memory_space<hbm>>) dst(%arg6 : memref<15008xi32, #tpu.memory_space<vmem>>)
        tpu.yield
      }) : () -> ()
    } else {
    }
    %convert_element_type3A_70 = arith.extui %eq3A_0 : i1 to i32
    %cond3A_71 = arith.constant 0 : i32
    %cond3A_72 = arith.cmpi ne, %convert_element_type3A_70, %cond3A_71 : i32
    scf.if %cond3A_72 {
      %mul3A_168 = arith.constant 4 : i32
      %mul3A_169 = arith.muli %multiple_of3A, %mul3A_168 : i32
      "tpu.region"() ({
        %run_scoped3A = tpu.sem_alloc : memref<!tpu.dma_semaphore, #tpu.memory_space<semaphore_mem>>
        %dma_start3A_170 = arith.constant 0 : i32
        %dma_start3A_171 = tpu.memref_slice %arg6[%dma_start3A_170] : memref<15008xi32, #tpu.memory_space<vmem>> -> memref<14880xi32, #tpu.memory_space<vmem>>
        %dma_start3A_172 = tpu.memref_slice %arg3[%mul3A_169] : memref<240000xi32, #tpu.memory_space<hbm>> -> memref<14880xi32, #tpu.memory_space<hbm>>
        %dma_start3A_173 = arith.constant 0 : i32
        %dma_start3A_174 = tpu.memref_slice %arg6[%dma_start3A_173] : memref<15008xi32, #tpu.memory_space<vmem>> -> memref<14880xi32, #tpu.memory_space<vmem>>
        %dma_start3A_175 = tpu.memref_slice %arg3[%mul3A_169] : memref<240000xi32, #tpu.memory_space<hbm>> -> memref<14880xi32, #tpu.memory_space<hbm>>
        tpu.enqueue_dma source(%dma_start3A_175 : memref<14880xi32, #tpu.memory_space<hbm>>) target(%dma_start3A_174 : memref<14880xi32, #tpu.memory_space<vmem>>) target_semaphore(%run_scoped3A : memref<!tpu.dma_semaphore, #tpu.memory_space<semaphore_mem>>)
        %dma_wait3A_176 = arith.constant 0 : i32
        %dma_wait3A_177 = tpu.memref_slice %arg6[%dma_wait3A_176] : memref<15008xi32, #tpu.memory_space<vmem>> -> memref<14880xi32, #tpu.memory_space<vmem>>
        %dma_wait3A_178 = tpu.memref_slice %arg3[%mul3A_169] : memref<240000xi32, #tpu.memory_space<hbm>> -> memref<14880xi32, #tpu.memory_space<hbm>>
        %dma_wait3A_179 = arith.constant 0 : i32
        %dma_wait3A_180 = tpu.memref_slice %arg6[%dma_wait3A_179] : memref<15008xi32, #tpu.memory_space<vmem>> -> memref<14880xi32, #tpu.memory_space<vmem>>
        %dma_wait3A_181 = tpu.memref_slice %arg3[%mul3A_169] : memref<240000xi32, #tpu.memory_space<hbm>> -> memref<14880xi32, #tpu.memory_space<hbm>>
        tpu.wait_dma2 semaphore(%run_scoped3A : memref<!tpu.dma_semaphore, #tpu.memory_space<semaphore_mem>>) src(%dma_wait3A_181 : memref<14880xi32, #tpu.memory_space<hbm>>) dst(%dma_wait3A_180 : memref<14880xi32, #tpu.memory_space<vmem>>)
        tpu.yield
      }) : () -> ()
    } else {
    }
    %scan3A_73 = arith.constant 0 : i32
    %scan3A_74 = arith.constant 0 : i32
    %scan3A_75 = arith.constant 235 : i32
    %scan3A_76 = arith.addi %scan3A_74, %scan3A_75 : i32
    %scan3A_77 = arith.constant 1 : i32
    %scan3A_78 = scf.for %scan3A_168 = %scan3A_74 to %scan3A_76 step %scan3A_77 iter_args(%scan3A_169 = %scan3A_73) -> (i32)  : i32 {
      %mul3A_170 = arith.constant 16 : i32
      %mul3A_171 = arith.muli %scan3A_168, %mul3A_170 : i32
      %add3A_172 = vector.broadcast %mul3A_171 : i32 to vector<16xi32>
      %add3A_173 = arith.addi %add3A_172, %iota3A : vector<16xi32>
      %sub3A_174 = arith.constant 1 : i32
      %sub3A_175 = arith.subi %select_n3A, %sub3A_174 : i32
      %min3A = vector.broadcast %sub3A_175 : i32 to vector<16xi32>
      %min3A_176 = arith.minsi %add3A_173, %min3A : vector<16xi32>
      %mul3A_177 = arith.constant 4 : i32
      %mul3A_178 = vector.broadcast %mul3A_177 : i32 to vector<16xi32>
      %mul3A_179 = arith.muli %min3A_176, %mul3A_178 : vector<16xi32>
      %gather3A = tpu.vector_load_idx %arg6[%mul3A_179] : memref<15008xi32, #tpu.memory_space<vmem>>[vector<16xi32>], vector<16xi32>,
      %add3A_180 = arith.constant 1 : i32
      %add3A_181 = vector.broadcast %add3A_180 : i32 to vector<16xi32>
      %add3A_182 = arith.addi %mul3A_179, %add3A_181 : vector<16xi32>
      %gather3A_183 = tpu.vector_load_idx %arg6[%add3A_182] : memref<15008xi32, #tpu.memory_space<vmem>>[vector<16xi32>], vector<16xi32>,
      %add3A_184 = arith.constant 2 : i32
      %add3A_185 = vector.broadcast %add3A_184 : i32 to vector<16xi32>
      %add3A_186 = arith.addi %mul3A_179, %add3A_185 : vector<16xi32>
      %gather3A_187 = tpu.vector_load_idx %arg6[%add3A_186] : memref<15008xi32, #tpu.memory_space<vmem>>[vector<16xi32>], vector<16xi32>,
      %add3A_188 = arith.constant 3 : i32
      %add3A_189 = vector.broadcast %add3A_188 : i32 to vector<16xi32>
      %add3A_190 = arith.addi %mul3A_179, %add3A_189 : vector<16xi32>
      %gather3A_191 = tpu.vector_load_idx %arg6[%add3A_190] : memref<15008xi32, #tpu.memory_space<vmem>>[vector<16xi32>], vector<16xi32>,
      %mul3A_192 = arith.constant 438048 : i32
      %mul3A_193 = vector.broadcast %mul3A_192 : i32 to vector<16xi32>
      %mul3A_194 = arith.muli %gather3A, %mul3A_193 : vector<16xi32>
      %mul3A_195 = arith.constant 219024 : i32
      %mul3A_196 = vector.broadcast %mul3A_195 : i32 to vector<16xi32>
      %mul3A_197 = arith.muli %gather3A_183, %mul3A_196 : vector<16xi32>
      %add3A_198 = arith.addi %mul3A_194, %mul3A_197 : vector<16xi32>
      %mul3A_199 = arith.constant 468 : i32
      %mul3A_200 = vector.broadcast %mul3A_199 : i32 to vector<16xi32>
      %mul3A_201 = arith.muli %gather3A_187, %mul3A_200 : vector<16xi32>
      %add3A_202 = arith.addi %add3A_198, %mul3A_201 : vector<16xi32>
      %add3A_203 = arith.addi %add3A_202, %gather3A_191 : vector<16xi32>
      %mul3A_204 = arith.constant 16 : i32
      %mul3A_205 = arith.muli %scan3A_168, %mul3A_204 : i32
      %swap3A_206 = arith.index_cast %mul3A_205 : i32 to index
      %swap3A_207 = tpu.vector_load %arg7[%swap3A_206] {strides = array<i32>} : memref<3760xi32, #tpu.memory_space<vmem>>, vector<16xi32>,
      tpu.vector_store %arg7[%swap3A_206], %add3A_203 {strides = array<i32>} : memref<3760xi32, #tpu.memory_space<vmem>>, vector<16xi32>,
      %scan3A_208 = arith.constant 0 : i32
      scf.yield %scan3A_208 : i32
    }
    %scan3A_79 = arith.constant 235 : i32
    %add3A_80 = arith.constant 3712 : i32
    %add3A_81 = vector.broadcast %add3A_80 : i32 to vector<16xi32>
    %add3A_82 = arith.addi %add3A_81, %iota3A : vector<16xi32>
    %get3A = arith.constant 3712 : index
    %get3A_83 = tpu.vector_load %arg7[%get3A] {strides = array<i32>} : memref<3760xi32, #tpu.memory_space<vmem>>, vector<16xi32>,
    %lt3A_84 = vector.broadcast %select_n3A : i32 to vector<16xi32>
    %lt3A_85 = arith.cmpi slt, %add3A_82, %lt3A_84 : vector<16xi32>
    %add3A_86 = arith.constant 876096 : i32
    %add3A_87 = vector.broadcast %add3A_86 : i32 to vector<16xi32>
    %add3A_88 = arith.addi %add3A_87, %iota3A : vector<16xi32>
    %select_n3A_89 = arith.select %lt3A_85, %get3A_83, %add3A_88 : vector<16xi1>, vector<16xi32>
    %swap3A = arith.constant 3712 : index
    %swap3A_90 = tpu.vector_load %arg7[%swap3A] {strides = array<i32>} : memref<3760xi32, #tpu.memory_space<vmem>>, vector<16xi32>,
    tpu.vector_store %arg7[%swap3A], %select_n3A_89 {strides = array<i32>} : memref<3760xi32, #tpu.memory_space<vmem>>, vector<16xi32>,
    %add3A_91 = arith.constant 3728 : i32
    %add3A_92 = vector.broadcast %add3A_91 : i32 to vector<16xi32>
    %add3A_93 = arith.addi %add3A_92, %iota3A : vector<16xi32>
    %get3A_94 = arith.constant 3728 : index
    %get3A_95 = tpu.vector_load %arg7[%get3A_94] {strides = array<i32>} : memref<3760xi32, #tpu.memory_space<vmem>>, vector<16xi32>,
    %lt3A_96 = vector.broadcast %select_n3A : i32 to vector<16xi32>
    %lt3A_97 = arith.cmpi slt, %add3A_93, %lt3A_96 : vector<16xi32>
    %add3A_98 = arith.constant 876096 : i32
    %add3A_99 = vector.broadcast %add3A_98 : i32 to vector<16xi32>
    %add3A_100 = arith.addi %add3A_99, %iota3A : vector<16xi32>
    %select_n3A_101 = arith.select %lt3A_97, %get3A_95, %add3A_100 : vector<16xi1>, vector<16xi32>
    %swap3A_102 = arith.constant 3728 : index
    %swap3A_103 = tpu.vector_load %arg7[%swap3A_102] {strides = array<i32>} : memref<3760xi32, #tpu.memory_space<vmem>>, vector<16xi32>,
    tpu.vector_store %arg7[%swap3A_102], %select_n3A_101 {strides = array<i32>} : memref<3760xi32, #tpu.memory_space<vmem>>, vector<16xi32>,
    %add3A_104 = arith.constant 3744 : i32
    %add3A_105 = vector.broadcast %add3A_104 : i32 to vector<16xi32>
    %add3A_106 = arith.addi %add3A_105, %iota3A : vector<16xi32>
    %get3A_107 = arith.constant 3744 : index
    %get3A_108 = tpu.vector_load %arg7[%get3A_107] {strides = array<i32>} : memref<3760xi32, #tpu.memory_space<vmem>>, vector<16xi32>,
    %lt3A_109 = vector.broadcast %select_n3A : i32 to vector<16xi32>
    %lt3A_110 = arith.cmpi slt, %add3A_106, %lt3A_109 : vector<16xi32>
    %add3A_111 = arith.constant 876096 : i32
    %add3A_112 = vector.broadcast %add3A_111 : i32 to vector<16xi32>
    %add3A_113 = arith.addi %add3A_112, %iota3A : vector<16xi32>
    %select_n3A_114 = arith.select %lt3A_110, %get3A_108, %add3A_113 : vector<16xi1>, vector<16xi32>
    %swap3A_115 = arith.constant 3744 : index
    %swap3A_116 = tpu.vector_load %arg7[%swap3A_115] {strides = array<i32>} : memref<3760xi32, #tpu.memory_space<vmem>>, vector<16xi32>,
    tpu.vector_store %arg7[%swap3A_115], %select_n3A_114 {strides = array<i32>} : memref<3760xi32, #tpu.memory_space<vmem>>, vector<16xi32>,
    %dma_start3A = tpu.memref_slice %arg5[%multiple_of3A_40] : memref<876112xf32, #tpu.memory_space<vmem_shared>> -> memref<36512xf32, #tpu.memory_space<vmem_shared>>
    %dma_start3A_117 = tpu.memref_slice %arg5[%multiple_of3A_40] : memref<876112xf32, #tpu.memory_space<vmem_shared>> -> memref<36512xf32, #tpu.memory_space<vmem_shared>>
    tpu.enqueue_dma source(%arg9 : memref<36512xf32, #tpu.memory_space<vmem>>) target(%dma_start3A_117 : memref<36512xf32, #tpu.memory_space<vmem_shared>>) target_semaphore(%arg11 : memref<!tpu.dma_semaphore, #tpu.memory_space<semaphore_mem>>)
    %jit3A_118 = arith.constant 2 : i32
    %eq3A_119 = arith.constant 0 : i32
    %eq3A_120 = arith.cmpi eq, %jit3A_118, %eq3A_119 : i32
    %jit3A_121 = arith.constant 1 : i32
    %select_n3A_122 = arith.select %eq3A_120, %jit3A_121, %jit3A_118 : i32
    %rem3A_123 = arith.remsi %arg1, %select_n3A_122 : i32
    %ne3A_124 = arith.constant 0 : i32
    %ne3A_125 = arith.cmpi ne, %rem3A_123, %ne3A_124 : i32
    %lt3A_126 = arith.constant 0 : i32
    %lt3A_127 = arith.cmpi slt, %rem3A_123, %lt3A_126 : i32
    %lt3A_128 = arith.constant 0 : i32
    %lt3A_129 = arith.cmpi slt, %select_n3A_122, %lt3A_128 : i32
    %ne3A_130 = arith.xori %lt3A_127, %lt3A_129 : i1
    %and3A_131 = arith.andi %ne3A_130, %ne3A_125 : i1
    %add3A_132 = arith.addi %rem3A_123, %select_n3A_122 : i32
    %select_n3A_133 = arith.select %and3A_131, %add3A_132, %rem3A_123 : i32
    %eq3A_134 = arith.constant 0 : i32
    %eq3A_135 = arith.cmpi eq, %select_n3A_133, %eq3A_134 : i32
    %convert_element_type3A_136 = arith.extui %eq3A_135 : i1 to i32
    %cond3A_137 = arith.constant 0 : i32
    %cond3A_138 = arith.cmpi ne, %convert_element_type3A_136, %cond3A_137 : i32
    scf.if %cond3A_138 {
      %add3A_168 = arith.constant 36512 : i32
      %add3A_169 = arith.addi %multiple_of3A_40, %add3A_168 : i32
      %dma_start3A_170 = arith.constant 0 : i32
      %dma_start3A_171 = tpu.memref_slice %arg9[%dma_start3A_170] : memref<36512xf32, #tpu.memory_space<vmem>> -> memref<18248xf32, #tpu.memory_space<vmem>>
      %dma_start3A_172 = tpu.memref_slice %arg5[%add3A_169] : memref<876112xf32, #tpu.memory_space<vmem_shared>> -> memref<18248xf32, #tpu.memory_space<vmem_shared>>
      %dma_start3A_173 = tpu.memref_slice %arg5[%add3A_169] : memref<876112xf32, #tpu.memory_space<vmem_shared>> -> memref<18248xf32, #tpu.memory_space<vmem_shared>>
      %dma_start3A_174 = arith.constant 0 : i32
      %dma_start3A_175 = tpu.memref_slice %arg9[%dma_start3A_174] : memref<36512xf32, #tpu.memory_space<vmem>> -> memref<18248xf32, #tpu.memory_space<vmem>>
      tpu.enqueue_dma source(%dma_start3A_175 : memref<18248xf32, #tpu.memory_space<vmem>>) target(%dma_start3A_173 : memref<18248xf32, #tpu.memory_space<vmem_shared>>) target_semaphore(%arg11 : memref<!tpu.dma_semaphore, #tpu.memory_space<semaphore_mem>>)
      %add3A_176 = arith.constant 36512 : i32
      %add3A_177 = arith.addi %multiple_of3A_40, %add3A_176 : i32
      %dma_wait3A_178 = arith.constant 0 : i32
      %dma_wait3A_179 = tpu.memref_slice %arg9[%dma_wait3A_178] : memref<36512xf32, #tpu.memory_space<vmem>> -> memref<18248xf32, #tpu.memory_space<vmem>>
      %dma_wait3A_180 = tpu.memref_slice %arg5[%add3A_177] : memref<876112xf32, #tpu.memory_space<vmem_shared>> -> memref<18248xf32, #tpu.memory_space<vmem_shared>>
      %dma_wait3A_181 = tpu.memref_slice %arg5[%add3A_177] : memref<876112xf32, #tpu.memory_space<vmem_shared>> -> memref<18248xf32, #tpu.memory_space<vmem_shared>>
      %dma_wait3A_182 = arith.constant 0 : i32
      %dma_wait3A_183 = tpu.memref_slice %arg9[%dma_wait3A_182] : memref<36512xf32, #tpu.memory_space<vmem>> -> memref<18248xf32, #tpu.memory_space<vmem>>
      tpu.wait_dma2 semaphore(%arg11 : memref<!tpu.dma_semaphore, #tpu.memory_space<semaphore_mem>>) src(%dma_wait3A_183 : memref<18248xf32, #tpu.memory_space<vmem>>) dst(%dma_wait3A_181 : memref<18248xf32, #tpu.memory_space<vmem_shared>>)
    } else {
    }
    %jit3A_139 = arith.constant 2 : i32
    %eq3A_140 = arith.constant 0 : i32
    %eq3A_141 = arith.cmpi eq, %jit3A_139, %eq3A_140 : i32
    %jit3A_142 = arith.constant 1 : i32
    %select_n3A_143 = arith.select %eq3A_141, %jit3A_142, %jit3A_139 : i32
    %rem3A_144 = arith.remsi %arg1, %select_n3A_143 : i32
    %ne3A_145 = arith.constant 0 : i32
    %ne3A_146 = arith.cmpi ne, %rem3A_144, %ne3A_145 : i32
    %lt3A_147 = arith.constant 0 : i32
    %lt3A_148 = arith.cmpi slt, %rem3A_144, %lt3A_147 : i32
    %lt3A_149 = arith.constant 0 : i32
    %lt3A_150 = arith.cmpi slt, %select_n3A_143, %lt3A_149 : i32
    %ne3A_151 = arith.xori %lt3A_148, %lt3A_150 : i1
    %and3A_152 = arith.andi %ne3A_151, %ne3A_146 : i1
    %add3A_153 = arith.addi %rem3A_144, %select_n3A_143 : i32
    %select_n3A_154 = arith.select %and3A_152, %add3A_153, %rem3A_144 : i32
    %ne3A_155 = arith.constant 0 : i32
    %ne3A_156 = arith.cmpi ne, %select_n3A_154, %ne3A_155 : i32
    %convert_element_type3A_157 = arith.extui %ne3A_156 : i1 to i32
    %cond3A_158 = arith.constant 0 : i32
    %cond3A_159 = arith.cmpi ne, %convert_element_type3A_157, %cond3A_158 : i32
    scf.if %cond3A_159 {
      %add3A_168 = arith.constant 36512 : i32
      %add3A_169 = arith.addi %multiple_of3A_40, %add3A_168 : i32
      %dma_start3A_170 = arith.constant 0 : i32
      %dma_start3A_171 = tpu.memref_slice %arg9[%dma_start3A_170] : memref<36512xf32, #tpu.memory_space<vmem>> -> memref<18240xf32, #tpu.memory_space<vmem>>
      %dma_start3A_172 = tpu.memref_slice %arg5[%add3A_169] : memref<876112xf32, #tpu.memory_space<vmem_shared>> -> memref<18240xf32, #tpu.memory_space<vmem_shared>>
      %dma_start3A_173 = tpu.memref_slice %arg5[%add3A_169] : memref<876112xf32, #tpu.memory_space<vmem_shared>> -> memref<18240xf32, #tpu.memory_space<vmem_shared>>
      %dma_start3A_174 = arith.constant 0 : i32
      %dma_start3A_175 = tpu.memref_slice %arg9[%dma_start3A_174] : memref<36512xf32, #tpu.memory_space<vmem>> -> memref<18240xf32, #tpu.memory_space<vmem>>
      tpu.enqueue_dma source(%dma_start3A_175 : memref<18240xf32, #tpu.memory_space<vmem>>) target(%dma_start3A_173 : memref<18240xf32, #tpu.memory_space<vmem_shared>>) target_semaphore(%arg11 : memref<!tpu.dma_semaphore, #tpu.memory_space<semaphore_mem>>)
      %add3A_176 = arith.constant 36512 : i32
      %add3A_177 = arith.addi %multiple_of3A_40, %add3A_176 : i32
      %dma_wait3A_178 = arith.constant 0 : i32
      %dma_wait3A_179 = tpu.memref_slice %arg9[%dma_wait3A_178] : memref<36512xf32, #tpu.memory_space<vmem>> -> memref<18240xf32, #tpu.memory_space<vmem>>
      %dma_wait3A_180 = tpu.memref_slice %arg5[%add3A_177] : memref<876112xf32, #tpu.memory_space<vmem_shared>> -> memref<18240xf32, #tpu.memory_space<vmem_shared>>
      %dma_wait3A_181 = tpu.memref_slice %arg5[%add3A_177] : memref<876112xf32, #tpu.memory_space<vmem_shared>> -> memref<18240xf32, #tpu.memory_space<vmem_shared>>
      %dma_wait3A_182 = arith.constant 0 : i32
      %dma_wait3A_183 = tpu.memref_slice %arg9[%dma_wait3A_182] : memref<36512xf32, #tpu.memory_space<vmem>> -> memref<18240xf32, #tpu.memory_space<vmem>>
      tpu.wait_dma2 semaphore(%arg11 : memref<!tpu.dma_semaphore, #tpu.memory_space<semaphore_mem>>) src(%dma_wait3A_183 : memref<18240xf32, #tpu.memory_space<vmem>>) dst(%dma_wait3A_181 : memref<18240xf32, #tpu.memory_space<vmem_shared>>)
    } else {
    }
    %dma_wait3A = tpu.memref_slice %arg5[%multiple_of3A_40] : memref<876112xf32, #tpu.memory_space<vmem_shared>> -> memref<36512xf32, #tpu.memory_space<vmem_shared>>
    %dma_wait3A_160 = tpu.memref_slice %arg5[%multiple_of3A_40] : memref<876112xf32, #tpu.memory_space<vmem_shared>> -> memref<36512xf32, #tpu.memory_space<vmem_shared>>
    tpu.wait_dma2 semaphore(%arg11 : memref<!tpu.dma_semaphore, #tpu.memory_space<semaphore_mem>>) src(%arg9 : memref<36512xf32, #tpu.memory_space<vmem>>) dst(%dma_wait3A_160 : memref<36512xf32, #tpu.memory_space<vmem_shared>>)
    %scan3A_161 = arith.constant 0 : i32
    %scan3A_162 = arith.constant 0 : i32
    %scan3A_163 = arith.constant 32 : i32
    %scan3A_164 = arith.addi %scan3A_162, %scan3A_163 : i32
    %scan3A_165 = arith.constant 1 : i32
    %scan3A_166 = scf.for %scan3A_168 = %scan3A_162 to %scan3A_164 step %scan3A_165 iter_args(%scan3A_169 = %scan3A_161) -> (i32)  : i32 {
      %mul3A_170 = arith.constant 32 : i32
      %mul3A_171 = arith.muli %arg0, %mul3A_170 : i32
      %add3A_172 = arith.addi %mul3A_171, %scan3A_168 : i32
      %not3A_173 = arith.constant true
      %not3A_174 = arith.xori %eq3A_0, %not3A_173 : i1
      %convert_element_type3A_175 = arith.extui %not3A_174 : i1 to i32
      %cond3A_176 = arith.constant 0 : i32
      %cond3A_177 = arith.cmpi ne, %convert_element_type3A_175, %cond3A_176 : i32
      scf.if %cond3A_177 {
        %mul3A_267 = arith.constant 60160 : i32
        %mul3A_268 = arith.muli %add3A_172, %mul3A_267 : i32
        %add3A_269 = arith.addi %mul3A_268, %multiple_of3A : i32
        %dma_start3A_270 = arith.constant 0 : i32
        %dma_start3A_271 = tpu.memref_slice %arg8[%dma_start3A_270] : memref<3760xf32, #tpu.memory_space<vmem>> -> memref<3752xf32, #tpu.memory_space<vmem>>
        %dma_start3A_272 = tpu.memref_slice %arg2[%add3A_269] : memref<3850240xf32, #tpu.memory_space<hbm>> -> memref<3752xf32, #tpu.memory_space<hbm>>
        %dma_start3A_273 = arith.constant 0 : i32
        %dma_start3A_274 = tpu.memref_slice %arg8[%dma_start3A_273] : memref<3760xf32, #tpu.memory_space<vmem>> -> memref<3752xf32, #tpu.memory_space<vmem>>
        %dma_start3A_275 = tpu.memref_slice %arg2[%add3A_269] : memref<3850240xf32, #tpu.memory_space<hbm>> -> memref<3752xf32, #tpu.memory_space<hbm>>
        tpu.enqueue_dma source(%dma_start3A_275 : memref<3752xf32, #tpu.memory_space<hbm>>) target(%dma_start3A_274 : memref<3752xf32, #tpu.memory_space<vmem>>) target_semaphore(%arg10 : memref<!tpu.dma_semaphore, #tpu.memory_space<semaphore_mem>>)
      } else {
      }
      %convert_element_type3A_178 = arith.extui %eq3A_0 : i1 to i32
      %cond3A_179 = arith.constant 0 : i32
      %cond3A_180 = arith.cmpi ne, %convert_element_type3A_178, %cond3A_179 : i32
      scf.if %cond3A_180 {
        %mul3A_267 = arith.constant 60160 : i32
        %mul3A_268 = arith.muli %add3A_172, %mul3A_267 : i32
        %add3A_269 = arith.addi %mul3A_268, %multiple_of3A : i32
        %dma_start3A_270 = arith.constant 0 : i32
        %dma_start3A_271 = tpu.memref_slice %arg8[%dma_start3A_270] : memref<3760xf32, #tpu.memory_space<vmem>> -> memref<3720xf32, #tpu.memory_space<vmem>>
        %dma_start3A_272 = tpu.memref_slice %arg2[%add3A_269] : memref<3850240xf32, #tpu.memory_space<hbm>> -> memref<3720xf32, #tpu.memory_space<hbm>>
        %dma_start3A_273 = arith.constant 0 : i32
        %dma_start3A_274 = tpu.memref_slice %arg8[%dma_start3A_273] : memref<3760xf32, #tpu.memory_space<vmem>> -> memref<3720xf32, #tpu.memory_space<vmem>>
        %dma_start3A_275 = tpu.memref_slice %arg2[%add3A_269] : memref<3850240xf32, #tpu.memory_space<hbm>> -> memref<3720xf32, #tpu.memory_space<hbm>>
        tpu.enqueue_dma source(%dma_start3A_275 : memref<3720xf32, #tpu.memory_space<hbm>>) target(%dma_start3A_274 : memref<3720xf32, #tpu.memory_space<vmem>>) target_semaphore(%arg10 : memref<!tpu.dma_semaphore, #tpu.memory_space<semaphore_mem>>)
      } else {
      }
      %not3A_181 = arith.constant true
      %not3A_182 = arith.xori %eq3A_0, %not3A_181 : i1
      %convert_element_type3A_183 = arith.extui %not3A_182 : i1 to i32
      %cond3A_184 = arith.constant 0 : i32
      %cond3A_185 = arith.cmpi ne, %convert_element_type3A_183, %cond3A_184 : i32
      scf.if %cond3A_185 {
        %mul3A_267 = arith.constant 60160 : i32
        %mul3A_268 = arith.muli %add3A_172, %mul3A_267 : i32
        %add3A_269 = arith.addi %mul3A_268, %multiple_of3A : i32
        %dma_wait3A_270 = arith.constant 0 : i32
        %dma_wait3A_271 = tpu.memref_slice %arg8[%dma_wait3A_270] : memref<3760xf32, #tpu.memory_space<vmem>> -> memref<3752xf32, #tpu.memory_space<vmem>>
        %dma_wait3A_272 = tpu.memref_slice %arg2[%add3A_269] : memref<3850240xf32, #tpu.memory_space<hbm>> -> memref<3752xf32, #tpu.memory_space<hbm>>
        %dma_wait3A_273 = arith.constant 0 : i32
        %dma_wait3A_274 = tpu.memref_slice %arg8[%dma_wait3A_273] : memref<3760xf32, #tpu.memory_space<vmem>> -> memref<3752xf32, #tpu.memory_space<vmem>>
        %dma_wait3A_275 = tpu.memref_slice %arg2[%add3A_269] : memref<3850240xf32, #tpu.memory_space<hbm>> -> memref<3752xf32, #tpu.memory_space<hbm>>
        tpu.wait_dma2 semaphore(%arg10 : memref<!tpu.dma_semaphore, #tpu.memory_space<semaphore_mem>>) src(%dma_wait3A_275 : memref<3752xf32, #tpu.memory_space<hbm>>) dst(%dma_wait3A_274 : memref<3752xf32, #tpu.memory_space<vmem>>)
      } else {
      }
      %convert_element_type3A_186 = arith.extui %eq3A_0 : i1 to i32
      %cond3A_187 = arith.constant 0 : i32
      %cond3A_188 = arith.cmpi ne, %convert_element_type3A_186, %cond3A_187 : i32
      scf.if %cond3A_188 {
        %mul3A_267 = arith.constant 60160 : i32
        %mul3A_268 = arith.muli %add3A_172, %mul3A_267 : i32
        %add3A_269 = arith.addi %mul3A_268, %multiple_of3A : i32
        %dma_wait3A_270 = arith.constant 0 : i32
        %dma_wait3A_271 = tpu.memref_slice %arg8[%dma_wait3A_270] : memref<3760xf32, #tpu.memory_space<vmem>> -> memref<3720xf32, #tpu.memory_space<vmem>>
        %dma_wait3A_272 = tpu.memref_slice %arg2[%add3A_269] : memref<3850240xf32, #tpu.memory_space<hbm>> -> memref<3720xf32, #tpu.memory_space<hbm>>
        %dma_wait3A_273 = arith.constant 0 : i32
        %dma_wait3A_274 = tpu.memref_slice %arg8[%dma_wait3A_273] : memref<3760xf32, #tpu.memory_space<vmem>> -> memref<3720xf32, #tpu.memory_space<vmem>>
        %dma_wait3A_275 = tpu.memref_slice %arg2[%add3A_269] : memref<3850240xf32, #tpu.memory_space<hbm>> -> memref<3720xf32, #tpu.memory_space<hbm>>
        tpu.wait_dma2 semaphore(%arg10 : memref<!tpu.dma_semaphore, #tpu.memory_space<semaphore_mem>>) src(%dma_wait3A_275 : memref<3720xf32, #tpu.memory_space<hbm>>) dst(%dma_wait3A_274 : memref<3720xf32, #tpu.memory_space<vmem>>)
      } else {
      }
      %barrier3A = arith.constant 0 : index
      tpu.barrier barrier_id(%barrier3A)
      "tpu.region"() ({
        %run_scoped3A = tpu.sem_alloc : memref<!tpu.dma_semaphore, #tpu.memory_space<semaphore_mem>>
        %dma_start3A_267 = arith.constant 0 : i32
        %dma_start3A_268 = tpu.memref_slice %arg5[%dma_start3A_267] : memref<876112xf32, #tpu.memory_space<vmem_shared>> -> memref<876112xf32, #tpu.memory_space<vmem_shared>>
        tpu.enqueue_indirect_dma source(%arg8 : memref<3760xf32, #tpu.memory_space<vmem>>) target(%dma_start3A_268 : memref<876112xf32, #tpu.memory_space<vmem_shared>>) offsets(%arg7 : memref<3760xi32, #tpu.memory_space<vmem>>) semaphore(%run_scoped3A : memref<!tpu.dma_semaphore, #tpu.memory_space<semaphore_mem>>)
        %dma_wait3A_269 = arith.constant 0 : i32
        %dma_wait3A_270 = tpu.memref_slice %arg5[%dma_wait3A_269] : memref<876112xf32, #tpu.memory_space<vmem_shared>> -> memref<876112xf32, #tpu.memory_space<vmem_shared>>
        tpu.wait_indirect_dma semaphore(%run_scoped3A : memref<!tpu.dma_semaphore, #tpu.memory_space<semaphore_mem>>) src(%arg8 : memref<3760xf32, #tpu.memory_space<vmem>>) dst(%dma_wait3A_270 : memref<876112xf32, #tpu.memory_space<vmem_shared>>)
        tpu.yield
      }) : () -> ()
      %barrier3A_189 = arith.constant 0 : index
      tpu.barrier barrier_id(%barrier3A_189)
      %jit3A_190 = arith.constant 8 : i32
      %div3A_191 = arith.divsi %arg1, %jit3A_190 : i32
      %sign3A_192 = arith.constant 0 : i32
      %sign3A_193 = arith.cmpi sgt, %arg1, %sign3A_192 : i32
      %sign3A_194 = arith.extui %sign3A_193 : i1 to i32
      %sign3A_195 = arith.constant 0 : i32
      %sign3A_196 = arith.cmpi slt, %arg1, %sign3A_195 : i32
      %sign3A_197 = arith.extui %sign3A_196 : i1 to i32
      %sign3A_198 = arith.subi %sign3A_194, %sign3A_197 : i32
      %sign3A_199 = arith.constant 0 : i32
      %sign3A_200 = arith.cmpi sgt, %jit3A_190, %sign3A_199 : i32
      %sign3A_201 = arith.extui %sign3A_200 : i1 to i32
      %sign3A_202 = arith.constant 0 : i32
      %sign3A_203 = arith.cmpi slt, %jit3A_190, %sign3A_202 : i32
      %sign3A_204 = arith.extui %sign3A_203 : i1 to i32
      %sign3A_205 = arith.subi %sign3A_201, %sign3A_204 : i32
      %ne3A_206 = arith.cmpi ne, %sign3A_198, %sign3A_205 : i32
      %rem3A_207 = arith.remsi %arg1, %jit3A_190 : i32
      %ne3A_208 = arith.constant 0 : i32
      %ne3A_209 = arith.cmpi ne, %rem3A_207, %ne3A_208 : i32
      %and3A_210 = arith.andi %ne3A_206, %ne3A_209 : i1
      %sub3A_211 = arith.constant 1 : i32
      %sub3A_212 = arith.subi %div3A_191, %sub3A_211 : i32
      %select_n3A_213 = arith.select %and3A_210, %sub3A_212, %div3A_191 : i32
      %mul3A_214 = arith.constant 28035072 : i32
      %mul3A_215 = arith.muli %select_n3A_213, %mul3A_214 : i32
      %mul3A_216 = arith.constant 438048 : i32
      %mul3A_217 = arith.muli %add3A_172, %mul3A_216 : i32
      %add3A_218 = arith.addi %mul3A_215, %mul3A_217 : i32
      %mul3A_219 = arith.constant 438048 : i32
      %mul3A_220 = arith.muli %select_n3A_213, %mul3A_219 : i32
      %sub3A_221 = arith.subi %multiple_of3A_40, %mul3A_220 : i32
      %add3A_222 = arith.addi %add3A_218, %sub3A_221 : i32
      %multiple_of3A_223 = tpu.assume_multiple %add3A_222, 8 : i32
      %jit3A_224 = arith.constant 2 : i32
      %eq3A_225 = arith.constant 0 : i32
      %eq3A_226 = arith.cmpi eq, %jit3A_224, %eq3A_225 : i32
      %jit3A_227 = arith.constant 1 : i32
      %select_n3A_228 = arith.select %eq3A_226, %jit3A_227, %jit3A_224 : i32
      %rem3A_229 = arith.remsi %arg1, %select_n3A_228 : i32
      %ne3A_230 = arith.constant 0 : i32
      %ne3A_231 = arith.cmpi ne, %rem3A_229, %ne3A_230 : i32
      %lt3A_232 = arith.constant 0 : i32
      %lt3A_233 = arith.cmpi slt, %rem3A_229, %lt3A_232 : i32
      %lt3A_234 = arith.constant 0 : i32
      %lt3A_235 = arith.cmpi slt, %select_n3A_228, %lt3A_234 : i32
      %ne3A_236 = arith.xori %lt3A_233, %lt3A_235 : i1
      %and3A_237 = arith.andi %ne3A_236, %ne3A_231 : i1
      %add3A_238 = arith.addi %rem3A_229, %select_n3A_228 : i32
      %select_n3A_239 = arith.select %and3A_237, %add3A_238, %rem3A_229 : i32
      %eq3A_240 = arith.constant 0 : i32
      %eq3A_241 = arith.cmpi eq, %select_n3A_239, %eq3A_240 : i32
      %convert_element_type3A_242 = arith.extui %eq3A_241 : i1 to i32
      %cond3A_243 = arith.constant 0 : i32
      %cond3A_244 = arith.cmpi ne, %convert_element_type3A_242, %cond3A_243 : i32
      scf.if %cond3A_244 {
        %dma_start3A_267 = tpu.memref_slice %arg4[%multiple_of3A_223] : memref<56070144xf32, #tpu.memory_space<hbm>> -> memref<54760xf32, #tpu.memory_space<hbm>>
        %dma_start3A_268 = tpu.memref_slice %arg5[%multiple_of3A_40] : memref<876112xf32, #tpu.memory_space<vmem_shared>> -> memref<54760xf32, #tpu.memory_space<vmem_shared>>
        tpu.enqueue_dma source(%dma_start3A_268 : memref<54760xf32, #tpu.memory_space<vmem_shared>>) target(%dma_start3A_267 : memref<54760xf32, #tpu.memory_space<hbm>>) target_semaphore(%arg12 : memref<!tpu.dma_semaphore, #tpu.memory_space<semaphore_mem>>)
        %dma_wait3A_269 = tpu.memref_slice %arg4[%multiple_of3A_223] : memref<56070144xf32, #tpu.memory_space<hbm>> -> memref<54760xf32, #tpu.memory_space<hbm>>
        %dma_wait3A_270 = tpu.memref_slice %arg5[%multiple_of3A_40] : memref<876112xf32, #tpu.memory_space<vmem_shared>> -> memref<54760xf32, #tpu.memory_space<vmem_shared>>
        tpu.wait_dma2 semaphore(%arg12 : memref<!tpu.dma_semaphore, #tpu.memory_space<semaphore_mem>>) src(%dma_wait3A_270 : memref<54760xf32, #tpu.memory_space<vmem_shared>>) dst(%dma_wait3A_269 : memref<54760xf32, #tpu.memory_space<hbm>>)
      } else {
      }
      %jit3A_245 = arith.constant 2 : i32
      %eq3A_246 = arith.constant 0 : i32
      %eq3A_247 = arith.cmpi eq, %jit3A_245, %eq3A_246 : i32
      %jit3A_248 = arith.constant 1 : i32
      %select_n3A_249 = arith.select %eq3A_247, %jit3A_248, %jit3A_245 : i32
      %rem3A_250 = arith.remsi %arg1, %select_n3A_249 : i32
      %ne3A_251 = arith.constant 0 : i32
      %ne3A_252 = arith.cmpi ne, %rem3A_250, %ne3A_251 : i32
      %lt3A_253 = arith.constant 0 : i32
      %lt3A_254 = arith.cmpi slt, %rem3A_250, %lt3A_253 : i32
      %lt3A_255 = arith.constant 0 : i32
      %lt3A_256 = arith.cmpi slt, %select_n3A_249, %lt3A_255 : i32
      %ne3A_257 = arith.xori %lt3A_254, %lt3A_256 : i1
      %and3A_258 = arith.andi %ne3A_257, %ne3A_252 : i1
      %add3A_259 = arith.addi %rem3A_250, %select_n3A_249 : i32
      %select_n3A_260 = arith.select %and3A_258, %add3A_259, %rem3A_250 : i32
      %ne3A_261 = arith.constant 0 : i32
      %ne3A_262 = arith.cmpi ne, %select_n3A_260, %ne3A_261 : i32
      %convert_element_type3A_263 = arith.extui %ne3A_262 : i1 to i32
      %cond3A_264 = arith.constant 0 : i32
      %cond3A_265 = arith.cmpi ne, %convert_element_type3A_263, %cond3A_264 : i32
      scf.if %cond3A_265 {
        %dma_start3A_267 = tpu.memref_slice %arg4[%multiple_of3A_223] : memref<56070144xf32, #tpu.memory_space<hbm>> -> memref<54752xf32, #tpu.memory_space<hbm>>
        %dma_start3A_268 = tpu.memref_slice %arg5[%multiple_of3A_40] : memref<876112xf32, #tpu.memory_space<vmem_shared>> -> memref<54752xf32, #tpu.memory_space<vmem_shared>>
        tpu.enqueue_dma source(%dma_start3A_268 : memref<54752xf32, #tpu.memory_space<vmem_shared>>) target(%dma_start3A_267 : memref<54752xf32, #tpu.memory_space<hbm>>) target_semaphore(%arg12 : memref<!tpu.dma_semaphore, #tpu.memory_space<semaphore_mem>>)
        %dma_wait3A_269 = tpu.memref_slice %arg4[%multiple_of3A_223] : memref<56070144xf32, #tpu.memory_space<hbm>> -> memref<54752xf32, #tpu.memory_space<hbm>>
        %dma_wait3A_270 = tpu.memref_slice %arg5[%multiple_of3A_40] : memref<876112xf32, #tpu.memory_space<vmem_shared>> -> memref<54752xf32, #tpu.memory_space<vmem_shared>>
        tpu.wait_dma2 semaphore(%arg12 : memref<!tpu.dma_semaphore, #tpu.memory_space<semaphore_mem>>) src(%dma_wait3A_270 : memref<54752xf32, #tpu.memory_space<vmem_shared>>) dst(%dma_wait3A_269 : memref<54752xf32, #tpu.memory_space<hbm>>)
      } else {
      }
      %scan3A_266 = arith.constant 0 : i32
      scf.yield %scan3A_266 : i32
    }
    %scan3A_167 = arith.constant 32 : i32
    return
  }
}

module attributes {stable_mosaic.version = 14 : i64} {
  func.func @_tr_body(%arg0: memref<60000x64xf32, #tpu.memory_space<vmem>>, %arg1: memref<30080x128xf32, #tpu.memory_space<vmem>>) attributes {dimension_semantics = [], scalar_prefetch = 0 : i64, scratch_operands = 0 : i64, tpu.core_type = #tpu.core_type<tc>} {
    %get3A = arith.constant 0 : index
    %get3A_0 = arith.constant 0 : index
    %get3A_1 = vector.load %arg0[%get3A, %get3A_0] : memref<60000x64xf32, #tpu.memory_space<vmem>>, vector<60000x64xf32>
    %transpose3A = tpu.transpose %get3A_1, [1, 0] : vector<60000x64xf32> -> vector<64x60000xf32>
    %jit3A = arith.constant 0 : i32
    %convert_element_type3A = arith.sitofp %jit3A : i32 to f32
    %pad3A = vector.broadcast %convert_element_type3A : f32 to vector<64x160xf32>
    %pad3A_2 = tpu.concatenate %transpose3A, %pad3A in 1 : vector<64x60000xf32>, vector<64x160xf32> -> vector<64x60160xf32>
    %reshape3A = vector.shape_cast %pad3A_2 : vector<64x60160xf32> to vector<30080x128xf32>
    %swap3A = arith.constant 0 : index
    %swap3A_3 = arith.constant 0 : index
    %swap3A_4 = vector.load %arg1[%swap3A, %swap3A_3] : memref<30080x128xf32, #tpu.memory_space<vmem>>, vector<30080x128xf32>
    tpu.vector_store %arg1[%swap3A, %swap3A_3], %reshape3A {strides = array<i32>} : memref<30080x128xf32, #tpu.memory_space<vmem>>, vector<30080x128xf32>,
    return
  }
}

</mosaic_0001>

<sc_bundles>
// kernel: kernel.4.cloned.1.call-start
scs
__scs_entry_jumppad:
0x0: {  	(pc) =	sbr.rel $0x88, $3  }
0x1: {  	(tag) =	ssettag $0x0;
	lr =	simm.s32 $0x1  }
0x2: {  	[smem:$0x3F9F] =	sst lr;
	_ =	strace $0xD0000000  }
0x3: {  	_ = 	snop  }
0x4: {  	_ = 	snop  }
0x5: {  	_ = 	snop  }
0x6: {  	_ = 	snop  }
0x7: {  	_ = 	snop  }
__scs_overlays_trampoline_lowered:
0x8: {  	[smem:$0x3FAE] =	sst s0  }
0x9: {  	[smem:$0x3FAF] =	sst s1  }
0xa: {  	[smem:$0x3FB0] =	sst s2  }
0xb: {  	[smem:$0x3FB1] =	sst s3  }
0xc: {  	[smem:$0x3FB2] =	sst s4  }
0xd: {  	[smem:$0x3FB3] =	sst s5  }
0xe: {  	[smem:$0x3FB4] =	sst s6  }
0xf: {  	[smem:$0x3FB5] =	sst s7  }
0x10: {  	[smem:$0x3FB6] =	sst s8  }
0x11: {  	[smem:$0x3FB7] =	sst s9;
	s0 =	simm.s32 @!p0 $0x0  }
0x12: {  	s1 =	sld [smem:$0x3F9D];
	s0 =	simm.s32 @p0 $0x1  }
0x13: {  	[smem:$0x3FB8] =	sst s0;
	s0 =	simm.s32 @!p1 $0x0  }
0x14: {  	s2 =	sld [smem:$0x3F9C];
	s0 =	simm.s32 @p1 $0x1  }
0x15: {  	[smem:$0x3FB9] =	sst s0;
	s0 =	simm.s32 @!p2 $0x0  }
0x16: {  	s3 =	sld [smem:$0x3FDB];
	s0 =	simm.s32 @p2 $0x1  }
0x17: {  	s4 =	simm.s32 $0x1BF5;
	[smem:$0x3FBB] =	sst s0  }
0x18: {  	s0 =	sld [smem:$0x3F9E];
	_ =	swait.ge [sflag:s4], $0x0  }
0x19: {  	s7 =	sld [smem:$0x3F9F]  }
0x1a: {  	s8 =	sadd.s32 $0xFFFFE003, lr  }
0x1b: {  	s9 =	sadd.s32 $0xFFFFFEF7, lr;
	s5 =	simm.s32 $0xFFFFFFFF;
	p2 =	slt.u32 s8, $0xFFFFF086  }
0x1c: {  	p1 =	slt.u32 s9, $0xF7A;
	s5 =	simm.s32 @!p2 $0x0  }
0x1d: {  	s5 =	simm.s32 @p1 $0x1;
	p0 =	seq.s32 s7, s2  }
0x1e: {  	s7 =	smul.u32 @!p0 $0xF7A, s2;
	p2 =	seq.s32 @!p0 s5, $0x0  }
0x1f: {  	s9 =	smul.u32 $0xF7A, s1;
	s8 =	simm.s32 @!p0 $0x1BF5;
	p2 =	por !p2, p0  }
0x20: {  	[sflag:s8] =	ssyncset.s32 @!p0 $0xFFFFF086;
	s6 =	sadd.s32 @!p0 s3, s7;
	s7 =	simm.s32 @!p0 $0x108  }
0x21: {  	s3 =	sadd.s32 s3, s9;
	s6 =	sadd.s32 @!p0 $0x88, s6;
	s7 =	simm.s32 @p2 $0x1082  }
0x22: {  	[simem:s7], [sflag:s8] =	dma.local @!p0 [hbm:s6], $0xF7A  }
0x23: {  	s9 =	sor.u32 $0xD0000000, s2;
	s6 =	simm.s32 $0x108;
	_ =	swait.ge @!p0 [sflag:s8], $0x0  }
0x24: {  	s3 =	sadd.s32 $0x88, s3;
	s6 =	simm.s32 @!p1 $0x1082;
	[sflag:s4] =	ssyncset.s32 $0xFFFFF086  }
0x25: {  	[simem:s6], [sflag:s4] =	dma.local [hbm:s3], $0xF7A  }
0x26: {  	[smem:$0x3F9F] =	sst s1;
	(tag) =	ssettag s2;
	_ =	strace s9  }
0x27: {  	s1 =	sld [smem:$0x3FAF]  }
0x28: {  	s2 =	sld [smem:$0x3FB0]  }
0x29: {  	s4 =	sld [smem:$0x3FB2]  }
0x2a: {  	p0 =	seq.s32 s5, $0x0;
	s5 =	sld [smem:$0x3FB3]  }
0x2b: {  	s6 =	sld [smem:$0x3FB4]  }
0x2c: {  	s7 =	sld [smem:$0x3FB5]  }
0x2d: {  	s3 =	simm.s32 $0x108;
	s8 =	sld [smem:$0x3FB6]  }
0x2e: {  	s3 =	simm.s32 @!p0 $0x1082;
	s9 =	sld [smem:$0x3FB7]  }
0x2f: {  	lr =	sadd.s32 s0, s3;
	s0 =	sld [smem:$0x3FAE]  }
0x30: {  	s3 =	sld [smem:$0x3FB1]  }
0x31: {  	[smem:$0x3FBA] =	sst s10  }
0x32: {  	s10 =	sld [smem:$0x3FB8];
	_ =	sdelay $0x3  }
0x33: {  	p0 =	seq.s32 s10, $0x1;
	s10 =	sld [smem:$0x3FBA];
	_ =	sdelay $0x3  }
0x34: {  	[smem:$0x3FBA] =	sst s10  }
0x35: {  	s10 =	sld [smem:$0x3FB9];
	_ =	sdelay $0x3  }
0x36: {  	p1 =	seq.s32 s10, $0x1;
	s10 =	sld [smem:$0x3FBA];
	_ =	sdelay $0x3  }
0x37: {  	[smem:$0x3FBA] =	sst s10  }
0x38: {  	s10 =	sld [smem:$0x3FBB]  }
0x39: {  	_ = 	snop;
	(pc) =	sbr.ind lr, $3  }
0x3a: {  	_ = 	snop  }
0x3b: {  	_ = 	snop  }
0x3c: {  	p2 =	seq.s32 s10, $0x1;
	s10 =	sld [smem:$0x3FBA]  }
0x3d: {  	_ =	shalt  }
0x3e: {  	_ =	shalt  }
0x3f: {  	_ =	shalt  }
0x40: {  	_ =	shalt  }
0x41: {  	_ =	shalt  }
0x42: {  	_ =	shalt  }
0x43: {  	_ =	shalt  }
0x44: {  	_ =	shalt  }
0x45: {  	_ =	shalt  }
0x46: {  	_ =	shalt  }
0x47: {  	_ =	shalt  }
0x48: {  	_ =	shalt  }
0x49: {  	_ =	shalt  }
0x4a: {  	_ =	shalt  }
0x4b: {  	_ =	shalt  }
0x4c: {  	_ =	shalt  }
0x4d: {  	_ =	shalt  }
0x4e: {  	_ =	shalt  }
0x4f: {  	_ =	shalt  }
0x50: {  	_ =	shalt  }
0x51: {  	_ =	shalt  }
0x52: {  	_ =	shalt  }
0x53: {  	_ =	shalt  }
0x54: {  	_ =	shalt  }
0x55: {  	_ =	shalt  }
0x56: {  	_ =	shalt  }
0x57: {  	_ =	shalt  }
0x58: {  	_ =	shalt  }
0x59: {  	_ =	shalt  }
0x5a: {  	_ =	shalt  }
0x5b: {  	_ =	shalt  }
0x5c: {  	_ =	shalt  }
0x5d: {  	_ =	shalt  }
0x5e: {  	_ =	shalt  }
0x5f: {  	_ =	shalt  }
0x60: {  	_ =	shalt  }
0x61: {  	_ =	shalt  }
0x62: {  	_ =	shalt  }
0x63: {  	_ =	shalt  }
0x64: {  	_ =	shalt  }
0x65: {  	_ =	shalt  }
0x66: {  	_ =	shalt  }
0x67: {  	_ =	shalt  }
0x68: {  	_ =	shalt  }
0x69: {  	_ =	shalt  }
0x6a: {  	_ =	shalt  }
0x6b: {  	_ =	shalt  }
0x6c: {  	_ =	shalt  }
0x6d: {  	_ =	shalt  }
0x6e: {  	_ =	shalt  }
0x6f: {  	_ =	shalt  }
0x70: {  	_ =	shalt  }
0x71: {  	_ =	shalt  }
0x72: {  	_ =	shalt  }
0x73: {  	_ =	shalt  }
0x74: {  	_ =	shalt  }
0x75: {  	_ =	shalt  }
0x76: {  	_ =	shalt  }
0x77: {  	_ =	shalt  }
0x78: {  	_ =	shalt  }
0x79: {  	_ =	shalt  }
0x7a: {  	_ =	shalt  }
0x7b: {  	_ =	shalt  }
0x7c: {  	_ =	shalt  }
0x7d: {  	_ =	shalt  }
0x7e: {  	_ =	shalt  }
0x7f: {  	_ =	shalt  }
0x80: {  	_ =	shalt  }
0x81: {  	_ =	shalt  }
0x82: {  	_ =	shalt  }
0x83: {  	_ =	shalt  }
0x84: {  	_ =	shalt  }
0x85: {  	_ =	shalt  }
0x86: {  	_ =	shalt  }
0x87: {  	_ =	shalt  }
.Lfunc_end0:
.L_simem_size_0:
called_computation.1_lowered:
.L_overlay_start_0:
0x88: {  	s2 =	sld [smem:$0x3FD9]  }
0x89: {  	s3 =	sld [smem:$0x3FFE];
	_ =	sdelay $0x1  }
0x8a: {  	s1 =	srdreg.scid  }
0x8b: {  	s0 =	sand.u32 $0x1, s1  }
0x8c: {  	s17 =	sshll.u32 s0, $0xA;
	s2 =	sadd.s32 s3, s2  }
0x8d: {  	s2 =	sadd.s32 s2, s17  }
0x8e: {  	[smem:$0x3FC6] =	sst s2  }
0x8f: {  	_ = 	snop  }
0x90: {  	s2 =	sld [smem:$0x3FD0];
	(tm) =	ssettm $0x1  }
0x91: {  	s18 =	sld [smem:$0x3FFB];
	_ =	sdelay $0x3  }
0x92: {  	_ =	strace s18  }
0x93: {  	s3 =	sld [smem:$0x3FFC];
	_ =	sdelay $0x3  }
0x94: {  	_ =	strace s3  }
0x95: {  	s3 =	sld [smem:$0x3FFD];
	_ =	sdelay $0x3  }
0x96: {  	_ =	strace s3  }
0x97: {  	_ =	strace $0x8FFFFFFF  }
0x98: {  	s19 =	sld [smem:$0x3FDB];
	_ =	sdelay $0x1  }
0x99: {  	s4 =	simm.s32 $_scs_section_size  }
0x9a: {  	s5 =	simm.s32 $_size__tile_overlayer_lowered;
	s6 =	simm.s32 $_tile_overlayer_lowered  }
0x9b: {  	s22 =	simm.s32 $0x1BFF;
	s21 =	sshll.u32 s6, $0x1;
	s3 =	sadd.s32 s4, s19  }
0x9c: {  	s7 =	simm.s32 $0x0;
	s20 =	sshll.u32 s5, $0x1;
	s5 =	sadd.s32 s21, s3  }
0x9d: {  	[timem:s7], [sflag:s22] =	dma.local [hbm:s5], s20  }
0x9e: {  	_ =	swait.ge [sflag:s22], s20  }
0x9f: {  	s4 =	ssub.s32 $0x0, s20;
	[sflag:s22] =	ssyncset.done $0x0  }
0xa0: {  	[sflag:s22] =	ssyncadd.s32 s4;
	_ =	sdelay $0x1  }
0xa1: {  	s23 =	simm.s32 $0x1B8B  }
0xa2: {  	_ =	swait.ge [sflag:s23], $0x1  }
0xa3: {  	[sflag:s23] =	ssyncset.done $0x0  }
0xa4: {  	s25 =	simm.s32 $0x1B8E;
	s24 =	sld [smem:$0x3FFE];
	[sflag:s23] =	ssyncadd.s32 $0xFFFFFFFF  }
0xa5: {  	s26 =	simm.s32 $execute0_lowered;
	[smem:$0x3FD2] =	sst s25  }
0xa6: {  	s5 =	sshll.u32 s26, $0x1;
	_ =	strace $0x80000046;
	[dreg:$0x1] =	wrdreg $0xFFFFFFFF  }
0xa7: {  	s28 =	simm.s32 $_size_execute0_lowered;
	s3 =	sadd.s32 s3, s5;
	[dreg:$0x0] =	wrdreg $0x0  }
0xa8: {  	s5 =	sshll.u32 s28, $0x1;
	[dreg:$0x2] =	wrdreg s3  }
0xa9: {  	[dreg:$0x3] =	wrdreg s5  }
0xaa: {  	[dreg:$0x4] =	wrdreg $0xC0  }
0xab: {  	_ =	task [dreg:s7], $0x5FFFF  }
0xac: {  	[dreg:$0x1] =	wrdreg $0xFFFFFFFF  }
0xad: {  	[dreg:$0x0] =	wrdreg $0x60  }
0xae: {  	[dreg:$0x2] =	wrdreg s24  }
0xaf: {  	[dreg:$0x3] =	wrdreg s2  }
0xb0: {  	[dreg:$0x4] =	wrdreg $0x0  }
0xb1: {  	[dreg:$0x5] =	wrdreg $0x9  }
0xb2: {  	_ =	task.clear_ibuf [dreg:s7], $0x6FFFF;
	_ =	strace $0x90000046  }
0xb3: {  	s29 =	simm.s32 $0x9;
	_ =	strace $0x80000048  }
0xb4: {  	_ =	swait.ge [sflag:s29], $0x1  }
0xb5: {  	[sflag:s29] =	ssyncadd.s32 $0xFFFFFFFF  }
0xb6: {  	_ =	strace $0x90000048  }
0xb7: {  	_ =	sfence  }
0xb8: {  	s30 =	sld [smem:$0x0];
	_ =	sdelay $0x2  }
0xb9: {  	s31 =	sshll.u32 s1, $0xD;
	s1 =	sshrl.u32 s1, $0x2  }
0xba: {  	s3 =	sand.u32 $0x4000, s31;
	s1 =	sadd.s32 s1, s30  }
0xbb: {  	s0 =	sor.u32 s3, s0;
	s1 =	sshll.u32 s1, $0x11  }
0xbc: {  	s0 =	sor.u32 s1, s0  }
0xbd: {  	s0 =	sadd.s32 $0x8F2B, s0  }
0xbe: {  	[sflag:s0] =	ssyncadd.remote.s32 $0x1  }
0xbf: {  	_ =	sfence.sel $0xFFFF  }
0xc0: {  	[dreg:$0x0] =	wrdreg $0xFFFFFFFF;
	(pc) =	sbr.abs _section_cstart, $3  }
0xc1: {  	[dreg:$0x1] =	wrdreg $0xFFFFFFFF  }
0xc2: {  	_ =	task.clear_ibuf [dreg:s7], $0x2FFFF;
	_ =	strace $0x9FFFFFFF  }
0xc3: {  	(tm) =	ssettm $0x7FFFFFFF  }
tec
execute0_lowered:
.L_overlay_start_1:
0x0: {  	(tag) =	ssettag $0x1  }
0x1: {  	s0 =	rddreg [dreg:$0x0]  }
0x2: {  	s1 =	rddreg [dreg:$0x1]  }
0x3: {  	s2 =	rddreg [dreg:$0x2];
	s11 =	stileid.u32  }
0x4: {  	s3 =	simm.s32 $0x0;
	s4 =	srdreg.scid;
	s5 =	smul.u32 $0x754, s11  }
0x5: {  	s13 =	simm.s32 $0xE88;
	s8 =	sshrl.u32 s11, $0x1;
	s10 =	smul.u32 $0xEA8, s11  }
0x6: {  	s18 =	simm.s32 $0x11F38;
	s14 =	sand.u32 $0x1, s11;
	s24 =	smul.u32 $0x1ABC8, s8  }
0x7: {  	s19 =	simm.s32 $0x4;
	s26 =	sshrl.u32 s11, $0x3;
	s25 =	smul.u32 $0xD5E8, s14  }
0x8: {  	[smem:$0x7FF] =	sst s3;
	s4 =	sand.u32 $0x1, s4;
	s8 =	smul.u32 $0x1A518E0, s26  }
0x9: {  	s12 =	sadd.s32 $0xA00, s0;
	p0 =	seq.s32 s11, $0xF;
	s15 =	smul.u32 $0xD5E400, s4  }
0xa: {  	_ =	strace $0x80000047;
	s6 =	ssub.s32 $0x2, s4;
	s17 =	smul.u32 $0x1D6000, s4  }
0xb: {  	s13 =	simm.s32 @!p0 $0xEA8;
	s4 =	smul.u32 $0x3AC00, s4;
	p1 =	sne.s32 s14, $0x0  }
0xc: {  	s5 =	sadd.s32 s5, s0;
	s7 =	sshrl.u32 s6, $0x1;
	s0 =	sadd.s32 $0x7CFEC, s0  }
0xd: {  	s29 =	sadd.s32 $0xFFFFFFFF, s13;
	v3 =	vmov s13;
	s13 =	simm.s32 $0xD5E8;
	s9 =	ssub.s32 s6, s7  }
0xe: {  	s28 =	sadd.s32 s25, s24;
	s5 =	sadd.s32 $0x76200, s5;
	[dreg:$0x5] =	wrdreg s0  }
0xf: {  	s16 =	sadd.s32 s24, s2;
	s15 =	sadd.s32 s15, s8;
	s10 =	sadd.s32 s10, s17  }
0x10: {  	s31 =	sadd.s32 s4, s12;
	s17 =	simm.s32 $0x11088;
	[dreg:$0x4] =	wrdreg s5  }
0x11: {  	v1 =	vlaneseq.u32;
	s6 =	sadd.s32 s28, s2;
	s8 =	sadd.s32 $0x8EA0, s16;
	s11 =	sadd.s32 s15, s28  }
0x12: {  	v2 =	vor.u32 $0xEA0, v1;
	v4 =	vor.u32 $0xE90, v1;
	v0 =	vmov s29;
	s9 =	smax.u32 s9, $0x1;
	s30 =	sshrl.u32 s10, $0x3;
	s15 =	simm.s32 $0x2  }
0x13: {  	vm0 =	vgt.u32 v3, v2;
	vm1 =	vgt.u32 v3, v4;
	v4 =	vor.u32 $0xE80, v1;
	s16 =	simm.s32 $0xEB0;
	s7 =	sadd.s32 $0x8EA0, s6;
	s11 =	sshrl.u32 s11, $0x3  }
0x14: {  	v2 =	vimm.f32 $0.0e+00;
	vm2 =	vgt.u32 v3, v4;
	v3 =	vor.u32 $0xD5E40, v1;
	s10 =	sadd.s32 s11, s1;
	s11 =	sadd.s32 s30, s12;
	s12 =	sadd.s32 $0x1B7B, s31  }
.LBB2_1:
0x15: {  	s0 =	simm.s32 $0x40;
	s1 =	simm.s32 $0x0  }
.LBB2_2:
0x16: {  	p2 =	sne.s32 s0, $0x23A40;
	[tilespmem:s1+$0x12DE8] =	vst v2;
	s1 =	smov.u32 s0;
	s0 =	sadd.s32 $0x40, s0  }
.Ltmp0:
0x17: {  	(pc) =	sbr.rel @p2 .LBB2_2-.Ltmp0, $2  }
0x18: {  	_ =	sdelay $0x2  }
0x19: {  	s1 =	sshra.s32 s1, $0x2  }
0x1a: {  	[tilespmem:s1+$0x12DE8] =	vst v2;
	s0 =	simm.s32 @p0 $0x0;
	s1 =	simm.s32 @p0 $0xD5E8;
	s4 =	rddreg [dreg:$0x5]  }
0x1b: {  	[tilespmem:s1], [sflag:$0x4] =	stream.linear.gather @p0 [hbm4b:s4+s0], $0x3A20, $0x38;
	[tilespmem:$0x1BC88] =	vst v63  }
0x1c: {  	s29 =	simm.s32 $0x0;
	s0 =	simm.s32 @p0 $0x4  }
0x1d: {  	v4 =	vor.u32 s29, v1;
	_ =	swait.ge @p0 [sflag:s0], $0x3A20  }
0x1e: {  	s1 =	simm.s32 @!p0 $0xD5E8;
	vm3 =	vlt.s32 v4, v0;
	[sflag:s0] =	ssyncset.done @p0 $0x0  }
0x1f: {  	v4 =	vsel vm3, v4, v0;
	s4 =	rddreg [dreg:$0x4];
	[sflag:s0] =	ssyncadd.s32 @p0 $0xFFFFC5E0;
	s0 =	simm.s32 @!p0 $0x0  }
0x20: {  	v4 =	vshll.u32 v4, $0x2;
	[tilespmem:s1], [sflag:$0x4] =	stream.linear.gather @!p0 [hbm4b:s4+s0], $0x3AA0, $0x38;
	[tilespmem:$0x1BC88] =	vst v63  }
0x21: {  	s0 =	simm.s32 @!p0 $0x4;
	v5 =	vor.u32 $0x1, v4  }
0x22: {  	v6 =	vor.u32 $0x2, v4;
	_ =	swait.ge @!p0 [sflag:s0], $0x3AA0  }
0x23: {  	[sflag:s0] =	ssyncset.done @!p0 $0x0  }
0x24: {  	[sflag:s0] =	ssyncadd.s32 @!p0 $0xFFFFC560  }
0x25: {  	v7 =	vld.idx.msk [tilespmem:v4+s13+$0x0], $0xffff;
	v4 =	vor.u32 $0x3, v4  }
0x26: {  	v5 =	vld.idx.msk [tilespmem:v5+s13+$0x0], $0xffff  }
0x27: {  	v6 =	vld.idx.msk [tilespmem:v6+s13+$0x0], $0xffff  }
0x28: {  	s30 =	simm.s32 $0x10  }
0x29: {  	v8 =	vor.u32 s30, v1  }
0x2a: {  	vm3 =	vlt.s32 v8, v0;
	v4 =	vld.idx.msk [tilespmem:v4+s13+$0x0], $0xffff  }
0x2b: {  	v8 =	vsel vm3, v8, v0;
	v7 =	vmul.u32 $0x6AF20, v7;
	v5 =	vmul.u32 $0x35790, v5  }
0x2c: {  	v8 =	vshll.u32 v8, $0x2;
	v6 =	vmul.u32 $0x1D4, v6  }
0x2d: {  	v9 =	vor.u32 $0x1, v8;
	v5 =	vadd.s32 v7, v5  }
0x2e: {  	v10 =	vor.u32 $0x2, v8;
	v5 =	vadd.s32 v6, v5  }
0x2f: {  	s0 =	simm.s32 $0x11088;
	v4 =	vadd.s32 v4, v5  }
0x30: {  	v11 =	vor.u32 $0x3, v8;
	[tilespmem:s0+$0x0] =	vst v4  }
0x31: {  	v5 =	vld.idx.msk [tilespmem:v8+s13+$0x0], $0xffff  }
0x32: {  	v7 =	vld.idx.msk [tilespmem:v9+s13+$0x0], $0xffff  }
0x33: {  	v6 =	vld.idx.msk [tilespmem:v10+s13+$0x0], $0xffff  }
0x34: {  	s31 =	simm.s32 $0x20  }
0x35: {  	s1 =	simm.s32 $0x30;
	v8 =	vor.u32 s31, v1;
	v4 =	vld.idx.msk [tilespmem:v11+s13+$0x0], $0xffff  }
.LBB2_4:
0x36: {  	p2 =	sne.s32 s1, $0xEA0;
	vm3 =	vlt.s32 v8, v0  }
0x37: {  	v5 =	vmul.u32 $0x6AF20, v5;
	v7 =	vmul.u32 $0x35790, v7;
	v8 =	vsel vm3, v8, v0  }
0x38: {  	v6 =	vmul.u32 $0x1D4, v6;
	v8 =	vshll.u32 v8, $0x2  }
0x39: {  	v5 =	vadd.s32 v5, v7;
	v9 =	vor.u32 $0x1, v8  }
0x3a: {  	v10 =	vor.u32 $0x2, v8;
	v5 =	vadd.s32 v6, v5  }
0x3b: {  	s0 =	sadd.s32 $0x10, s0;
	v4 =	vadd.s32 v4, v5  }
0x3c: {  	[tilespmem:s0+$0x0] =	vst v4  }
0x3d: {  	v4 =	vor.u32 $0x3, v8;
	v5 =	vld.idx.msk [tilespmem:v8+s13+$0x0], $0xffff  }
.Ltmp1:
0x3e: {  	v7 =	vld.idx.msk [tilespmem:v9+s13+$0x0], $0xffff;
	(pc) =	sbr.rel @p2 .LBB2_4-.Ltmp1, $2  }
0x3f: {  	v6 =	vld.idx.msk [tilespmem:v10+s13+$0x0], $0xffff;
	_ =	sdelay $0x2  }
0x40: {  	v8 =	vor.u32 s1, v1;
	s1 =	sadd.s32 $0x10, s1;
	v4 =	vld.idx.msk [tilespmem:v4+s13+$0x0], $0xffff  }
0x41: {  	vm3 =	vlt.s32 v8, v0  }
0x42: {  	v5 =	vmul.u32 $0x6AF20, v5;
	v7 =	vmul.u32 $0x35790, v7;
	v8 =	vsel vm3, v8, v0  }
0x43: {  	v6 =	vmul.u32 $0x1D4, v6;
	v8 =	vshll.u32 v8, $0x2  }
0x44: {  	v5 =	vadd.s32 v5, v7;
	v9 =	vor.u32 $0x1, v8  }
0x45: {  	v61 =	vor.u32 $0x2, v8;
	v5 =	vadd.s32 v6, v5  }
0x46: {  	s0 =	sadd.s32 $0x10, s0;
	v4 =	vadd.s32 v4, v5  }
0x47: {  	[tilespmem:s0+$0x0] =	vst v4  }
0x48: {  	v5 =	vor.u32 $0x3, v8;
	v4 =	vld.idx.msk [tilespmem:v8+s13+$0x0], $0xffff  }
0x49: {  	v62 =	vld.idx.msk [tilespmem:v9+s13+$0x0], $0xffff  }
0x4a: {  	v7 =	vld.idx.msk [tilespmem:v61+s13+$0x0], $0xffff;
	_ =	sdelay $0x2  }
0x4b: {  	v5 =	vld.idx.msk [tilespmem:v5+s13+$0x0], $0xffff  }
0x4c: {  	v4 =	vmul.u32 $0x6AF20, v4;
	v6 =	vmul.u32 $0x35790, v62  }
0x4d: {  	v7 =	vmul.u32 $0x1D4, v7  }
0x4e: {  	v4 =	vadd.s32 v4, v6  }
0x4f: {  	v4 =	vadd.s32 v7, v4  }
0x50: {  	s0 =	sadd.s32 $0x10, s0;
	v4 =	vadd.s32 v5, v4  }
0x51: {  	[tilespmem:s0+$0x0] =	vst v4  }
0x52: {  	v4 =	vld [tilespmem:$0x11F08]  }
0x53: {  	v5 =	vld [tilespmem:$0x11F18]  }
0x54: {  	v63 =	vld [tilespmem:$0x11F28];
	_ =	sdelay $0x2  }
0x55: {  	v4 =	vsel vm2, v4, v3  }
0x56: {  	[tilespmem:$0x11F08] =	vst v4;
	v4 =	vsel vm1, v5, v3  }
0x57: {  	[tilespmem:$0x11F18] =	vst v4;
	v4 =	vsel vm0, v63, v3  }
0x58: {  	s22 =	simm.s32 $0x12DE8;
	[tilespmem:$0x11F28] =	vst v4  }
0x59: {  	[spmem:s6] =	stream.linear.scatter [tilespmem:s22], [sflag:$0x2], $0x8EA0, $0x38;
	[tilespmem:$0x1BC88] =	vst v63  }
0x5a: {  	s0 =	simm.s32 @p1 $0x12DE8  }
0x5b: {  	[spmem:s7] =	stream.linear.scatter @p1 [tilespmem:s0], [sflag:$0x2], $0x4740, $0x38;
	[tilespmem:$0x1BC88] =	vst v63  }
0x5c: {  	s0 =	simm.s32 @p1 $0x2  }
0x5d: {  	_ =	swait.ge @p1 [sflag:s0], $0x4740  }
0x5e: {  	[sflag:s0] =	ssyncset.done @p1 $0x0  }
0x5f: {  	[sflag:s0] =	ssyncadd.s32 @p1 $0xFFFFB8C0;
	s0 =	simm.s32 @!p1 $0x12DE8  }
0x60: {  	[spmem:s8] =	stream.linear.scatter @!p1 [tilespmem:s0], [sflag:$0x2], $0x4748, $0x38;
	[tilespmem:$0x1BC88] =	vst v63  }
0x61: {  	s0 =	simm.s32 @!p1 $0x2  }
0x62: {  	_ =	swait.ge @!p1 [sflag:s0], $0x4748  }
0x63: {  	[sflag:s0] =	ssyncset.done @!p1 $0x0  }
0x64: {  	[sflag:s0] =	ssyncadd.s32 @!p1 $0xFFFFB8B8  }
0x65: {  	_ =	swait.ge [sflag:s15], $0x8EA0  }
0x66: {  	s20 =	simm.s32 @p0 $0x1;
	s24 =	simm.s32 @p0 $0x0;
	[sflag:s15] =	ssyncset.done $0x0  }
0x67: {  	s25 =	simm.s32 @p0 $0x11F38;
	s0 =	sadd.s32 @p0 $0x0, s12;
	[sflag:s15] =	ssyncadd.s32 $0xFFFF7160  }
0x68: {  	[tilespmem:s25], [sflag:$0x1] =	stream.linear.gather @p0 [hbm4b:s0+s24], $0xE88, $0x38;
	[tilespmem:$0x1BC88] =	vst v63  }
0x69: {  	_ =	swait.ge @p0 [sflag:s20], $0xE88  }
0x6a: {  	s26 =	simm.s32 @!p0 $0x11F38;
	s28 =	simm.s32 @!p0 $0x1;
	[sflag:s20] =	ssyncset.done @p0 $0x0  }
0x6b: {  	s30 =	simm.s32 @!p0 $0x0;
	s0 =	sadd.s32 @!p0 $0x0, s11;
	[sflag:s20] =	ssyncadd.s32 @p0 $0xFFFFF178  }
0x6c: {  	[tilespmem:s26], [sflag:$0x1] =	stream.linear.gather @!p0 [hbm4b:s0+s30], $0xEA8, $0x38;
	[tilespmem:$0x1BC88] =	vst v63  }
0x6d: {  	_ =	swait.ge @!p0 [sflag:s28], $0xEA8  }
0x6e: {  	[sflag:s28] =	ssyncset.done @!p0 $0x0  }
0x6f: {  	[sflag:s28] =	ssyncadd.s32 @!p0 $0xFFFFF158  }
0x70: {  	[bflag:$0x0] =	sbarrier.arrive $0xFFFF  }
0x71: {  	[spmem:s2] =	stream.indirect.scatter [tilespmem:s18], [sflag:$0x4], $0x1, s17, s16, $0xb8;
	[tilespmem:$0x1BC88] =	vst v63  }
0x72: {  	_ =	swait.ge [sflag:s19], $0xEB0  }
0x73: {  	s23 =	stileid.u32;
	[sflag:s19] =	ssyncset.done $0x0  }
0x74: {  	s31 =	simm.s32 @p1 $0x3;
	s0 =	sshll.u32 s23, $0x6;
	[sflag:s19] =	ssyncadd.s32 $0xFFFFF150  }
0x75: {  	s22 =	sshrl.u32 @p1 s6, $0x3;
	s21 =	sor.u32 $0x1C03, s0;
	[bflag:$0x0] =	sbarrier.arrive $0xFFFF  }
0x76: {  	[hbm:s10], [sflag:s21] =	dma.local @p1 [spmem:s22], $0x1ABC  }
0x77: {  	_ =	swait.ge @p1 [sflag:s31], $0x1ABC  }
0x78: {  	[sflag:s31] =	ssyncset.done @p1 $0x0  }
0x79: {  	s23 =	sshrl.u32 @!p1 s6, $0x3;
	s0 =	simm.s32 @!p1 $0x3;
	[sflag:s31] =	ssyncadd.s32 @p1 $0xFFFFE544  }
0x7a: {  	[hbm:s10], [sflag:s21] =	dma.local @!p1 [spmem:s23], $0x1ABD  }
0x7b: {  	s14 =	simm.s32 $0x1D60;
	s1 =	sadd.s32 @p0 $0x1D60, s12;
	_ =	swait.ge @!p1 [sflag:s0], $0x1ABD  }
0x7c: {  	s4 =	simm.s32 $0x3AC0;
	s29 =	sadd.s32 $0xD5E4, s10;
	[sflag:s0] =	ssyncset.done @!p1 $0x0  }
.LBB2_6:
0x7d: {  	[sflag:s0] =	ssyncadd.s32 @!p1 $0xFFFFE543;
	s5 =	smov.u32 s4  }
0x7e: {  	[tilespmem:s25], [sflag:$0x1] =	stream.linear.gather @p0 [hbm4b:s1+s24], $0xE88, $0x38;
	[tilespmem:$0x1BC88] =	vst v63  }
0x7f: {  	s4 =	sadd.s32 $0x1D60, s4;
	s1 =	sadd.s32 @p0 s5, s12;
	_ =	swait.ge @p0 [sflag:s20], $0xE88  }
0x80: {  	[sflag:s20] =	ssyncset.done @p0 $0x0  }
0x81: {  	s14 =	sadd.s32 @!p0 s14, s11;
	[sflag:s20] =	ssyncadd.s32 @p0 $0xFFFFF178  }
0x82: {  	[tilespmem:s26], [sflag:$0x1] =	stream.linear.gather @!p0 [hbm4b:s14+s30], $0xEA8, $0x38;
	[tilespmem:$0x1BC88] =	vst v63  }
0x83: {  	p2 =	sne.s32 s4, $0x3AC00;
	s14 =	smov.u32 s5;
	_ =	swait.ge @!p0 [sflag:s28], $0xEA8  }
0x84: {  	[sflag:s28] =	ssyncset.done @!p0 $0x0  }
0x85: {  	[sflag:s28] =	ssyncadd.s32 @!p0 $0xFFFFF158  }
0x86: {  	[bflag:$0x0] =	sbarrier.arrive $0xFFFF  }
0x87: {  	[spmem:s2] =	stream.indirect.scatter [tilespmem:s18], [sflag:$0x4], $0x1, s17, s16, $0xb8;
	[tilespmem:$0x1BC88] =	vst v63  }
0x88: {  	_ =	swait.ge [sflag:s19], $0xEB0  }
0x89: {  	[sflag:s19] =	ssyncset.done $0x0  }
0x8a: {  	[sflag:s19] =	ssyncadd.s32 $0xFFFFF150  }
0x8b: {  	[bflag:$0x0] =	sbarrier.arrive $0xFFFF  }
0x8c: {  	[hbm:s29], [sflag:s21] =	dma.local @p1 [spmem:s22], $0x1ABC  }
0x8d: {  	_ =	swait.ge @p1 [sflag:s31], $0x1ABC  }
.Ltmp2:
0x8e: {  	[sflag:s31] =	ssyncset.done @p1 $0x0;
	(pc) =	sbr.rel @p2 .LBB2_6-.Ltmp2, $4  }
0x8f: {  	[sflag:s31] =	ssyncadd.s32 @p1 $0xFFFFE544  }
0x90: {  	[hbm:s29], [sflag:s21] =	dma.local @!p1 [spmem:s23], $0x1ABD  }
0x91: {  	_ =	swait.ge @!p1 [sflag:s0], $0x1ABD  }
0x92: {  	s29 =	sadd.s32 $0xD5E4, s29;
	[sflag:s0] =	ssyncset.done @!p1 $0x0  }
0x93: {  	s4 =	simm.s32 @p0 $0x0;
	s5 =	simm.s32 @p0 $0x11F38;
	[sflag:s0] =	ssyncadd.s32 @!p1 $0xFFFFE543  }
0x94: {  	[tilespmem:s5], [sflag:$0x1] =	stream.linear.gather @p0 [hbm4b:s1+s4], $0xE88, $0x38;
	[tilespmem:$0x1BC88] =	vst v63  }
0x95: {  	_ =	swait.ge @p0 [sflag:s20], $0xE88  }
0x96: {  	s0 =	simm.s32 @!p0 $0x11F38;
	s1 =	simm.s32 @!p0 $0x1;
	[sflag:s20] =	ssyncset.done @p0 $0x0  }
0x97: {  	s4 =	sadd.s32 @!p0 s14, s11;
	s5 =	simm.s32 @!p0 $0x0;
	[sflag:s20] =	ssyncadd.s32 @p0 $0xFFFFF178  }
0x98: {  	[tilespmem:s0], [sflag:$0x1] =	stream.linear.gather @!p0 [hbm4b:s4+s5], $0xEA8, $0x38;
	[tilespmem:$0x1BC88] =	vst v63  }
0x99: {  	_ =	swait.ge @!p0 [sflag:s1], $0xEA8  }
0x9a: {  	[sflag:s1] =	ssyncset.done @!p0 $0x0  }
0x9b: {  	[sflag:s1] =	ssyncadd.s32 @!p0 $0xFFFFF158  }
0x9c: {  	[bflag:$0x0] =	sbarrier.arrive $0xFFFF  }
0x9d: {  	[spmem:s2] =	stream.indirect.scatter [tilespmem:s18], [sflag:$0x4], $0x1, s17, s16, $0xb8;
	[tilespmem:$0x1BC88] =	vst v63  }
0x9e: {  	_ =	swait.ge [sflag:s19], $0xEB0  }
0x9f: {  	[sflag:s19] =	ssyncset.done $0x0  }
0xa0: {  	[sflag:s19] =	ssyncadd.s32 $0xFFFFF150  }
0xa1: {  	s0 =	simm.s32 @p1 $0x3;
	[bflag:$0x0] =	sbarrier.arrive $0xFFFF  }
0xa2: {  	[hbm:s29], [sflag:s21] =	dma.local @p1 [spmem:s22], $0x1ABC  }
0xa3: {  	s3 =	sadd.s32 $0x1, s3;
	_ =	swait.ge @p1 [sflag:s0], $0x1ABC  }
0xa4: {  	p2 =	sne.s32 s3, s9;
	[sflag:s0] =	ssyncset.done @p1 $0x0  }
.Ltmp3:
0xa5: {  	[sflag:s0] =	ssyncadd.s32 @p1 $0xFFFFE544;
	s0 =	simm.s32 @!p1 $0x3;
	(pc) =	sbr.rel @p2 .LBB2_1-.Ltmp3, $4  }
0xa6: {  	[hbm:s29], [sflag:s21] =	dma.local @!p1 [spmem:s23], $0x1ABD  }
0xa7: {  	_ =	swait.ge @!p1 [sflag:s0], $0x1ABD  }
0xa8: {  	[sflag:s0] =	ssyncset.done @!p1 $0x0  }
0xa9: {  	[sflag:s0] =	ssyncadd.s32 @!p1 $0xFFFFE543  }
0xaa: {  	_ =	sfence.sel $0x180000  }
0xab: {  	[bflag:$0x0] =	sbarrier.arrive $0xFFFF  }
0xac: {  	_ =	strace $0x90000047  }
0xad: {  	s0 =	stileid.u32;
	[bflag:$0x2] =	sbarrier.arrive $0xFFFF  }
0xae: {  	p0 =	sne.s32 s0, $0x0;
	s0 =	rddreg [dreg:$0x3]  }
0xaf: {  	s0 =	sadd.s32 @!p0 $0x100000, s0  }
0xb0: {  	[sflag:s0] =	ssyncadd.tile.s32 @!p0 $0x1;
	_ =	shalt  }
.Lfunc_end2:
_tile_overlayer_lowered:
.L_overlay_start_2:
0xb1: {  	(tag) =	ssettag $0x2  }
0xb2: {  	s0 =	rddreg [dreg:$0x0];
	s2 =	stileid.u32  }
0xb3: {  	s1 =	rddreg [dreg:$0x1];
	p0 =	sne.s32 s2, $0x0  }
0xb4: {  	s3 =	rddreg [dreg:$0x2];
	[bflag:$0x3] =	sbarrier.arrive $0xFFFF;
	s2 =	simm.s32 @!p0 $0x1C04  }
0xb5: {  	[timem:s3], [sflag:s2] =	dma.local @!p0 [hbm:s0], s1  }
0xb6: {  	s0 =	simm.s32 @!p0 $0x4  }
0xb7: {  	_ =	swait.ge @!p0 [sflag:s0], s1  }
0xb8: {  	s1 =	ssub.s32 @!p0 $0x0, s1;
	[sflag:s0] =	ssyncset.done @!p0 $0x0  }
0xb9: {  	[sflag:s0] =	ssyncadd.s32 @!p0 s1  }
0xba: {  	[bflag:$0x3] =	sbarrier.arrive $0xFFFF  }
0xbb: {  	_ =	shalt  }

// kernel: sparse-core-data-format-call.cloned.1.call-start
scs
called_computation_lowered:
.L_overlay_start_0:
0x0: {  	s2 =	sld [smem:$0x3FD9]  }
0x1: {  	s3 =	sld [smem:$0x3FFE];
	_ =	sdelay $0x1  }
0x2: {  	s1 =	srdreg.scid  }
0x3: {  	s0 =	sand.u32 $0x1, s1  }
0x4: {  	s18 =	sshll.u32 s0, $0xA;
	s2 =	sadd.s32 s3, s2  }
0x5: {  	s2 =	sadd.s32 s2, s18  }
0x6: {  	[smem:$0x3FC6] =	sst s2  }
0x7: {  	_ = 	snop  }
0x8: {  	s2 =	sld [smem:$0x3FD0];
	(tm) =	ssettm $0x1  }
0x9: {  	s19 =	sld [smem:$0x3FFB];
	_ =	sdelay $0x3  }
0xa: {  	_ =	strace s19  }
0xb: {  	s3 =	sld [smem:$0x3FFC];
	_ =	sdelay $0x3  }
0xc: {  	_ =	strace s3  }
0xd: {  	s3 =	sld [smem:$0x3FFD];
	_ =	sdelay $0x3  }
0xe: {  	_ =	strace s3  }
0xf: {  	_ =	strace $0x8FFFFFFF  }
0x10: {  	s20 =	sld [smem:$0x3FDB];
	_ =	sdelay $0x1  }
0x11: {  	s4 =	simm.s32 $_scs_section_size  }
0x12: {  	s5 =	simm.s32 $_size__tile_overlayer_lowered;
	s6 =	simm.s32 $_tile_overlayer_lowered  }
0x13: {  	s23 =	simm.s32 $0x1BFF;
	s22 =	sshll.u32 s6, $0x1;
	s3 =	sadd.s32 s4, s20  }
0x14: {  	s7 =	simm.s32 $0x0;
	s21 =	sshll.u32 s5, $0x1;
	s5 =	sadd.s32 s22, s3  }
0x15: {  	[timem:s7], [sflag:s23] =	dma.local [hbm:s5], s21  }
0x16: {  	_ =	swait.ge [sflag:s23], s21  }
0x17: {  	s4 =	ssub.s32 $0x0, s21;
	[sflag:s23] =	ssyncset.done $0x0  }
0x18: {  	[sflag:s23] =	ssyncadd.s32 s4;
	_ =	sdelay $0x1  }
0x19: {  	s24 =	simm.s32 $0x1B8B  }
0x1a: {  	_ =	swait.ge [sflag:s24], $0x1  }
0x1b: {  	[sflag:s24] =	ssyncset.done $0x0  }
0x1c: {  	s26 =	simm.s32 $0x1B8E;
	s25 =	sld [smem:$0x3FFE];
	[sflag:s24] =	ssyncadd.s32 $0xFFFFFFFF  }
0x1d: {  	s27 =	simm.s32 $execute0_lowered;
	[smem:$0x3FD2] =	sst s26  }
0x1e: {  	s5 =	sshll.u32 s27, $0x1;
	_ =	strace $0x80000049;
	[dreg:$0x1] =	wrdreg $0xFFFFFFFF  }
0x1f: {  	s28 =	simm.s32 $_size_execute0_lowered;
	s3 =	sadd.s32 s3, s5;
	[dreg:$0x0] =	wrdreg $0x0  }
0x20: {  	s5 =	sshll.u32 s28, $0x1;
	[dreg:$0x2] =	wrdreg s3  }
0x21: {  	[dreg:$0x3] =	wrdreg s5  }
0x22: {  	[dreg:$0x4] =	wrdreg $0xC0  }
0x23: {  	_ =	task [dreg:s7], $0x5FFFF  }
0x24: {  	[dreg:$0x1] =	wrdreg $0xFFFFFFFF  }
0x25: {  	[dreg:$0x0] =	wrdreg $0x60  }
0x26: {  	[dreg:$0x2] =	wrdreg s25  }
0x27: {  	[dreg:$0x3] =	wrdreg s2  }
0x28: {  	[dreg:$0x4] =	wrdreg $0x9  }
0x29: {  	_ =	task.clear_ibuf [dreg:s7], $0x5FFFF;
	_ =	strace $0x90000049  }
0x2a: {  	s29 =	simm.s32 $0x9;
	_ =	strace $0x8000004B  }
0x2b: {  	_ =	swait.ge [sflag:s29], $0x1  }
0x2c: {  	[sflag:s29] =	ssyncadd.s32 $0xFFFFFFFF  }
0x2d: {  	_ =	strace $0x9000004B  }
0x2e: {  	_ =	sfence  }
0x2f: {  	s30 =	sld [smem:$0x0];
	_ =	sdelay $0x2  }
0x30: {  	s31 =	sshll.u32 s1, $0xD;
	s1 =	sshrl.u32 s1, $0x2  }
0x31: {  	s3 =	sand.u32 $0x4000, s31;
	s1 =	sadd.s32 s1, s30  }
0x32: {  	s0 =	sor.u32 s3, s0;
	s1 =	sshll.u32 s1, $0x11  }
0x33: {  	s0 =	sor.u32 s1, s0  }
0x34: {  	s0 =	sadd.s32 $0x8F2B, s0  }
0x35: {  	[sflag:s0] =	ssyncadd.remote.s32 $0x1  }
0x36: {  	_ =	sfence.sel $0xFFFF  }
0x37: {  	[dreg:$0x0] =	wrdreg $0xFFFFFFFF;
	(pc) =	sbr.abs _section_cstart, $3  }
0x38: {  	[dreg:$0x1] =	wrdreg $0xFFFFFFFF  }
0x39: {  	_ =	task.clear_ibuf [dreg:s7], $0x2FFFF;
	_ =	strace $0x9FFFFFFF  }
0x3a: {  	(tm) =	ssettm $0x7FFFFFFF  }
0x3b: {  	_ =	shalt  }
tec
execute0_lowered:
.L_overlay_start_1:
0x0: {  	(tag) =	ssettag $0x1  }
0x1: {  	s4 =	rddreg [dreg:$0x0]  }
0x2: {  	s2 =	rddreg [dreg:$0x1]  }
0x3: {  	s3 =	srdreg.scid;
	s1 =	stileid.u32;
	_ =	strace $0x8000004A  }
0x4: {  	s10 =	simm.s32 $0x2;
	s20 =	simm.s32 $0x0;
	p0 =	por $0x0, $0x0  }
0x5: {  	s11 =	simm.s32 $0x100;
	s23 =	simm.s32 $0x0;
	s21 =	simm.s32 $0x0  }
0x6: {  	s22 =	simm.s32 $0x0;
	s13 =	simm.s32 $0x0;
	s14 =	simm.s32 $0x0  }
0x7: {  	s15 =	simm.s32 $0x0;
	s17 =	simm.s32 $0x0;
	s3 =	sshll.u32 s3, $0x4  }
0x8: {  	s19 =	simm.s32 $0x0;
	s4 =	sadd.s32 $0x7D800, s4;
	s5 =	sand.u32 $0x10, s3  }
0x9: {  	s6 =	sshrl.u32 s1, $0x1;
	s3 =	sand.u32 $0x1, s1;
	s9 =	sor.u32 s1, s5  }
0xa: {  	s30 =	ssub.s32 $0x2, s3;
	s5 =	sand.u32 $0x3, s6;
	s6 =	simm.s32 $0x0  }
.Ltmp0:
0xb: {  	s7 =	sshrl.u32 s30, $0x1;
	s8 =	sand.u32 $0x1, s30;
	(pc) =	sbr.rel .LBB1_1-.Ltmp0, $4  }
0xc: {  	s18 =	smov.u32 s3;
	s31 =	sshll.u32 s9, $0x4;
	s8 =	sadd.s32 s8, s7  }
0xd: {  	s9 =	sshll.u32 s9, $0x7;
	s7 =	simm.s32 $0x1;
	s8 =	smul.u32 $0x75, s8  }
0xe: {  	s16 =	smov.u32 s5;
	s0 =	sand.u32 $0x180, s31;
	[sflag:s7] =	ssyncpa.u1 $0x0  }
0xf: {  	s9 =	sand.u32 $0xC00, s9;
	[sflag:s10] =	ssyncpa.u1 $0x0;
	s10 =	sadd.s32 $0x1, s8  }
.LBB1_4:
0x10: {  	s28 =	sshra.s32 s28, $0x2;
	p1 =	sgt.s32 s13, $0x1D3;
	s29 =	sshra.s32 s15, $0x1F;
	v5 =	vld [tilespmem:s25+$0xFFFFFFD0]  }
0x11: {  	s30 =	smov.u32 s15;
	s31 =	sshra.s32 s13, $0x1F;
	s12 =	smov.u32 s6;
	v58 =	vld [tilespmem:s25+$0xFFFFFFE0]  }
0x12: {  	[tilespmem:s26+$0x2040 ss:$0x81] =	vst.msk $0xffff, v4;
	v59 =	vld [tilespmem:s25+$0xFFFFFFF0];
	s27 =	sadd.s32 s28, s27;
	s28 =	smov.u32 s13;
	s29 =	sand.u32 s29, s15  }
0x13: {  	[tilespmem:s26+$0x2850 ss:$0x81] =	vst.msk $0xffff, v3;
	v60 =	vld [tilespmem:s25+$0x0];
	s31 =	sand.u32 s31, s13;
	s28 =	simm.s32 @!p1 $0x1D3;
	p1 =	sgt.s32 s15, $0x1  }
0x14: {  	[tilespmem:s26+$0x3060 ss:$0x81] =	vst.msk $0xffff, v2;
	v61 =	vld [tilespmem:s25+$0x10];
	s29 =	sxor.u32 $0xFFFFFFFF, s29;
	s30 =	simm.s32 @!p1 $0x1;
	p1 =	sgt.s32 s6, $0x154  }
0x15: {  	[tilespmem:s26+$0x0 ss:$0x81] =	vst.msk $0xffff, v1;
	v62 =	vld [tilespmem:s25+$0x20];
	s26 =	ssub.s32 s28, s31;
	s29 =	sadd.s32 s29, s30;
	s12 =	simm.s32 @!p1 $0x154  }
0x16: {  	v63 =	vld [tilespmem:s25+$0xFFFFFFC0];
	s30 =	ssub.s32 $0x0, s14;
	s31 =	sadd.s32 $0xFFFFFE2D, s26;
	s25 =	ssub.s32 $0x1D4, s26  }
0x17: {  	p1 =	sgt.s32 s29, $0x0;
	s29 =	ssub.s32 $0x1, s29;
	s12 =	ssub.s32 $0x1D4, s12  }
0x18: {  	[tilespmem:s27+$0x3870 ss:$0x81] =	vst.msk $0xffff, v0;
	s30 =	smin.u32 s14, s30;
	p2 =	sgt.s32 s31, $0x0;
	s29 =	simm.s32 @p1 $0x0  }
0x19: {  	[tilespmem:s27+$0x810 ss:$0x81] =	vst.msk $0xffff, v5;
	p1 =	sgt.s32 s30, $0x7F;
	s28 =	ssub.s32 $0x80, s30;
	s12 =	smul.u32 s29, s12  }
0x1a: {  	[tilespmem:s27+$0x1020 ss:$0x81] =	vst.msk $0xffff, v58;
	s30 =	smul.u32 $0x3A80, s13;
	s28 =	simm.s32 @p1 $0x0;
	s29 =	sshll.u32 s15, $0x4  }
0x1b: {  	[tilespmem:s27+$0x1830 ss:$0x81] =	vst.msk $0xffff, v59;
	s31 =	sshrl.u32 s14, $0x3;
	s26 =	sand.u32 $0x10, s29;
	s12 =	smul.u32 s28, s12  }
0x1c: {  	[tilespmem:s27+$0x2040 ss:$0x81] =	vst.msk $0xffff, v60;
	s25 =	simm.s32 @p2 $0x0;
	s29 =	sand.u32 $0x7, s14;
	s26 =	sadd.s32 s2, s26  }
0x1d: {  	[tilespmem:s27+$0x2850 ss:$0x81] =	vst.msk $0xffff, v61;
	s26 =	sadd.s32 s30, s26;
	s12 =	smul.u32 s25, s12;
	s25 =	sand.u32 $0xF, s31  }
0x1e: {  	[tilespmem:s27+$0x3060 ss:$0x81] =	vst.msk $0xffff, v62;
	s28 =	sshll.u32 s29, $0x12;
	s30 =	sshll.u32 s6, $0x5;
	s25 =	sadd.s32 s25, s26  }
0x1f: {  	[tilespmem:s27+$0x0 ss:$0x81] =	vst.msk $0xffff, v63;
	s31 =	sor.u32 $0x80, s28;
	s12 =	sand.u32 $0x3FFFFFFF, s12;
	s25 =	sadd.s32 s30, s25  }
0x20: {  	[hbm4b:s25+s31] =	stream.strided.scatter [tilespmem:s24], [sflag:$0x2], s12, s11, s31, $0x20;
	[tilespmem:$0x10100] =	vst v63  }
.LBB1_5:
0x21: {  	p1 =	slt.u32 s19, $0x2  }
0x22: {  	p2 =	sgt.s32 @!p1 s23, $0x1D3  }
0x23: {  	s12 =	smov.u32 s23;
	s24 =	sshra.s32 @!p1 s23, $0x1F;
	p2 =	por !p2, p1  }
0x24: {  	s23 =	sand.u32 @!p1 s24, s23;
	s12 =	simm.s32 @p2 $0x1D3  }
0x25: {  	s24 =	sshra.s32 @!p1 s22, $0x1F;
	p2 =	sgt.s32 @!p1 s22, $0x1;
	s12 =	ssub.s32 @!p1 s12, s23  }
0x26: {  	p2 =	por !p2, p1;
	s23 =	smov.u32 s22;
	s22 =	sand.u32 @!p1 s24, s22  }
0x27: {  	s23 =	simm.s32 @p2 $0x1;
	p2 =	sgt.s32 @!p1 s20, $0x154;
	s22 =	sxor.u32 @!p1 $0xFFFFFFFF, s22  }
0x28: {  	s24 =	sadd.s32 @!p1 $0xFFFFFE2D, s12;
	p2 =	por !p2, p1;
	s22 =	sadd.s32 @!p1 s22, s23  }
0x29: {  	s23 =	ssub.s32 @!p1 $0x0, s21;
	s20 =	simm.s32 @p2 $0x154;
	p2 =	sgt.s32 @!p1 s22, $0x0  }
0x2a: {  	s22 =	ssub.s32 @!p1 $0x1, s22;
	s21 =	smin.u32 @!p1 s21, s23;
	p2 =	por !p2, p1  }
0x2b: {  	s20 =	ssub.s32 @!p1 $0x1D4, s20;
	s22 =	simm.s32 @!p2 $0x0;
	p2 =	sgt.s32 @!p1 s21, $0x7F  }
0x2c: {  	s21 =	ssub.s32 @!p1 $0x80, s21;
	p2 =	por !p2, p1;
	s20 =	smul.u32 @!p1 s22, s20  }
0x2d: {  	s25 =	smov.u32 s17;
	s21 =	simm.s32 @!p2 $0x0;
	p2 =	sgt.s32 @!p1 s24, $0x0  }
0x2e: {  	s12 =	ssub.s32 @!p1 $0x1D4, s12;
	p2 =	por !p2, p1;
	s20 =	smul.u32 @!p1 s21, s20  }
0x2f: {  	s27 =	smov.u32 s18;
	s24 =	sadd.s32 $0x4, s16;
	s12 =	simm.s32 @!p2 $0x0  }
0x30: {  	p2 =	sgt.s32 s24, $0x1D3;
	s12 =	smul.u32 @!p1 s12, s20;
	s20 =	sadd.s32 $0x80, s17  }
0x31: {  	s28 =	sadd.s32 $0x1, s19;
	p0 =	por !p0, !p0;
	s25 =	smov.u32 @p2 s20  }
0x32: {  	s24 =	smov.u32 @p2 s5;
	s20 =	sadd.s32 $0x2, s18;
	p2 =	sgt.s32 s25, $0x7F  }
0x33: {  	s26 =	simm.s32 @!p1 $0x2;
	s23 =	smov.u32 s13;
	s27 =	smov.u32 @p2 s20  }
0x34: {  	s13 =	smov.u32 s16;
	s25 =	simm.s32 @p2 $0x0;
	p2 =	sgt.s32 s27, $0x1  }
0x35: {  	s22 =	smov.u32 s15;
	s27 =	smov.u32 @p2 s3;
	p2 =	sne.s32 s19, s10  }
.Ltmp1:
0x36: {  	s15 =	smov.u32 s18;
	s21 =	smov.u32 s14;
	(pc) =	sbr.rel @!p2 .LBB1_6-.Ltmp1, $4  }
0x37: {  	s14 =	smov.u32 s17;
	s16 =	smov.u32 s24;
	s12 =	sand.u32 @!p1 $0x3FFFFFFF, s12  }
0x38: {  	_ =	swait.ge @!p1 [sflag:s26], s12;
	s12 =	ssub.s32 @!p1 $0x0, s12;
	s20 =	smov.u32 s6  }
0x39: {  	s6 =	smov.u32 s0;
	[sflag:s26] =	ssyncset.done @!p1 $0x0;
	s17 =	smov.u32 s25  }
0x3a: {  	[sflag:s26] =	ssyncadd.s32 @!p1 s12;
	s19 =	smov.u32 s28;
	s18 =	smov.u32 s27  }
.LBB1_1:
0x3b: {  	p1 =	sge.u32 s19, s8  }
0x3c: {  	s24 =	sshll.u32 @!p1 s16, $0x9  }
0x3d: {  	s25 =	sshll.u32 @!p1 s16, $0x7;
	s24 =	sand.u32 @!p1 $0xFFFFF000, s24  }
0x3e: {  	s25 =	sand.u32 @!p1 $0x200, s25;
	s24 =	sor.u32 @!p1 s9, s24  }
0x3f: {  	s24 =	sor.u32 @!p1 s25, s24  }
0x40: {  	s24 =	sshrl.u32 @!p1 s24, $0x9  }
0x41: {  	s25 =	smulhi.u32 @!p1 $0x8AD8F3, s24  }
0x42: {  	s26 =	smul.u32 @!p1 $0x3B0000, s18  }
0x43: {  	s25 =	smul.u32 @!p1 $0x1D8, s25  }
0x44: {  	s31 =	sadd.s32 $0xFFFFFFFF, s19;
	s27 =	sxor.u32 @!p1 $0xFFFFFFFF, s19;
	s28 =	smul.u32 @!p1 $0x7600, s17  }
0x45: {  	s26 =	sadd.s32 @!p1 s4, s26;
	s24 =	ssub.s32 @!p1 s24, s25;
	s25 =	sshll.u32 @!p1 s16, $0x4  }
0x46: {  	s27 =	sshll.u32 @!p1 s27, $0xE;
	s26 =	sadd.s32 @!p1 s28, s26;
	s25 =	sand.u32 @!p1 $0x30, s25  }
0x47: {  	s27 =	sand.u32 @!p1 $0x4000, s27;
	s24 =	sshll.u32 @!p1 s24, $0x6;
	s25 =	sadd.s32 @!p1 s25, s26  }
0x48: {  	s26 =	simm.s32 @!p1 $0x3B000;
	s24 =	sadd.s32 @!p1 s24, s25;
	s25 =	simm.s32 @!p1 $0x80  }
0x49: {  	[tilespmem:s27], [sflag:$0x1] =	stream.strided.gather @!p1 [hbm4b:s24+s25], $0x4000, s26, s25, $0x38;
	[tilespmem:$0x10100] =	vst v63  }
0x4a: {  	p1 =	sge.u32 s31, s8  }
.Ltmp2:
0x4b: {  	_ = 	snop;
	(pc) =	sbr.rel @p1 .LBB1_5-.Ltmp2, $1  }
0x4c: {  	_ =	sdelay $0x3  }
0x4d: {  	s24 =	simm.s32 $0x1  }
0x4e: {  	_ =	swait.ge [sflag:s7], $0x4000;
	s24 =	simm.s32 @!p0 $0x0  }
0x4f: {  	[sflag:s7] =	ssyncset.done $0x0;
	s25 =	sshll.u32 s24, $0xE  }
0x50: {  	[sflag:s7] =	ssyncadd.s32 $0xFFFFC000;
	s25 =	sor.u32 $0x40, s25  }
0x51: {  	s24 =	smul.u32 $0x10200, s24;
	v0 =	vld [tilespmem:s25+$0x30]  }
0x52: {  	v1 =	vld [tilespmem:s25+$0xFFFFFFD0]  }
0x53: {  	s24 =	sshrl.u32 s24, $0x2;
	v5 =	vld [tilespmem:s25+$0xFFFFFFE0]  }
0x54: {  	v6 =	vld [tilespmem:s25+$0xFFFFFFF0];
	s27 =	sor.u32 $0x8000, s24  }
0x55: {  	s31 =	sand.u32 $0x1, s19;
	v4 =	vld [tilespmem:s25+$0x0];
	s26 =	sadd.s32 $0x0, s27  }
0x56: {  	v3 =	vld [tilespmem:s25+$0x10];
	s24 =	smul.u32 $0x10200, s31;
	[tilespmem:s26+$0x3870 ss:$0x81] =	vst.msk $0xffff, v0  }
0x57: {  	v2 =	vld [tilespmem:s25+$0x20];
	[tilespmem:s26+$0x810 ss:$0x81] =	vst.msk $0xffff, v1  }
0x58: {  	s24 =	sshrl.u32 s24, $0x2;
	v1 =	vld [tilespmem:s25+$0xFFFFFFC0];
	[tilespmem:s26+$0x1020 ss:$0x81] =	vst.msk $0xffff, v5;
	s25 =	sadd.s32 $0x80, s25  }
0x59: {  	s28 =	simm.s32 $0x4;
	s29 =	simm.s32 $0x8;
	s24 =	sor.u32 $0x8000, s24;
	[tilespmem:s26+$0x1830 ss:$0x81] =	vst.msk $0xffff, v6;
	v0 =	vld [tilespmem:s25+$0x30]  }
.LBB1_3:
0x5a: {  	p1 =	sne.s32 s29, $0x1FC;
	v5 =	vld [tilespmem:s25+$0xFFFFFFD0];
	[tilespmem:s26+$0x2040 ss:$0x81] =	vst.msk $0xffff, v4  }
0x5b: {  	v6 =	vld [tilespmem:s25+$0xFFFFFFE0];
	[tilespmem:s26+$0x2850 ss:$0x81] =	vst.msk $0xffff, v3  }
0x5c: {  	s30 =	sshra.s32 s28, $0x2;
	s28 =	smov.u32 s29;
	v7 =	vld [tilespmem:s25+$0xFFFFFFF0];
	[tilespmem:s26+$0x3060 ss:$0x81] =	vst.msk $0xffff, v2  }
.Ltmp3:
0x5d: {  	v4 =	vld [tilespmem:s25+$0x0];
	[tilespmem:s26+$0x0 ss:$0x81] =	vst.msk $0xffff, v1;
	s26 =	sadd.s32 s30, s27;
	(pc) =	sbr.rel @p1 .LBB1_3-.Ltmp3, $4  }
0x5e: {  	v3 =	vld [tilespmem:s25+$0x10];
	[tilespmem:s26+$0x3870 ss:$0x81] =	vst.msk $0xffff, v0  }
0x5f: {  	[tilespmem:s26+$0x810 ss:$0x81] =	vst.msk $0xffff, v5;
	v2 =	vld [tilespmem:s25+$0x20]  }
0x60: {  	v1 =	vld [tilespmem:s25+$0xFFFFFFC0];
	[tilespmem:s26+$0x1020 ss:$0x81] =	vst.msk $0xffff, v6;
	s25 =	sadd.s32 $0x80, s25  }
0x61: {  	s29 =	sadd.s32 $0x4, s29;
	v0 =	vld [tilespmem:s25+$0x30];
	[tilespmem:s26+$0x1830 ss:$0x81] =	vst.msk $0xffff, v7  }
.Ltmp4:
0x62: {  	_ = 	snop;
	(pc) =	sbr.rel .LBB1_4-.Ltmp4, $1  }
0x63: {  	_ =	sdelay $0x3  }
.LBB1_6:
0x64: {  	_ =	sfence.sel $0x180000  }
0x65: {  	s0 =	simm.s32 $0x1;
	[bflag:$0x0] =	sbarrier.arrive $0xFFFF  }
0x66: {  	s31 =	simm.s32 $0x2;
	[sflag:s0] =	ssyncpa.u1 $0x1  }
0x67: {  	[sflag:s31] =	ssyncpa.u1 $0x1  }
0x68: {  	_ =	strace $0x9000004A  }
0x69: {  	[bflag:$0x2] =	sbarrier.arrive $0xFFFF  }
0x6a: {  	p0 =	sne.s32 s1, $0x0;
	s0 =	rddreg [dreg:$0x2]  }
0x6b: {  	s0 =	sadd.s32 @!p0 $0x100000, s0  }
0x6c: {  	[sflag:s0] =	ssyncadd.tile.s32 @!p0 $0x1;
	_ =	shalt  }
.Lfunc_end1:
_tile_overlayer_lowered:
.L_overlay_start_2:
0x6d: {  	(tag) =	ssettag $0x2  }
0x6e: {  	s0 =	rddreg [dreg:$0x0];
	s2 =	stileid.u32  }
0x6f: {  	s1 =	rddreg [dreg:$0x1];
	p0 =	sne.s32 s2, $0x0  }
0x70: {  	s3 =	rddreg [dreg:$0x2];
	[bflag:$0x3] =	sbarrier.arrive $0xFFFF;
	s2 =	simm.s32 @!p0 $0x1C01  }
0x71: {  	[timem:s3], [sflag:s2] =	dma.local @!p0 [hbm:s0], s1  }
0x72: {  	s0 =	simm.s32 @!p0 $0x1  }
0x73: {  	_ =	swait.ge @!p0 [sflag:s0], s1  }
0x74: {  	s1 =	ssub.s32 @!p0 $0x0, s1;
	[sflag:s0] =	ssyncset.done @!p0 $0x0  }
0x75: {  	[sflag:s0] =	ssyncadd.s32 @!p0 s1  }
0x76: {  	[bflag:$0x3] =	sbarrier.arrive $0xFFFF  }
0x77: {  	_ =	shalt  }

</sc_bundles>
